<compile_context>
chip_gen: v7x
topology: tpu7x:2x2x1
jax: 0.10.2.dev20260603
libtpu: 0.0.44.dev20260713+nightly
codegen_flags: <defaults>
</compile_context>

<pallas_src>
import jax
import jax.numpy as jnp
from jax import lax
from jax.experimental import pallas as pl
from jax.experimental.pallas import tpu as pltpu
from jax.experimental.pallas import tpu_sc as plsc

D = 1001
DR = 1008
EP = 1024
NC, NS = 2, 16
NW = NC * NS
B = 4096
H = 50
NDT = 125
STRIPS = H * NDT
K_MAIN = -(-STRIPS // NW)
G = B // 16


def _exp_body(w_ref, o_ref):
    o_ref[...] = jnp.exp(w_ref[...])


_exp_tableT = pl.pallas_call(
    _exp_body,
    out_shape=jax.ShapeDtypeStruct((DR, EP), jnp.float32),
)


def _gather_body(expT_hbm, evT_hbm, out_hbm, idx1, rows2, strip2, last1,
                 lsem, ssem):
    wid = lax.axis_index("s") * NC + lax.axis_index("c")
    dsp = [jnp.full((16,), d, jnp.int32) for d in range(8)]

    def strip_of(k):
        s = wid + NW * k
        return s // NDT, s % NDT, s < STRIPS

    def issue_loads(k):
        h, dt, ok = strip_of(k)
        b = k % 2

        @pl.when(ok)
        def _():
            pltpu.async_copy(evT_hbm.at[pl.ds(h * B, B)], idx1.at[pl.ds(b * B, B)],
                             lsem.at[b])
            pltpu.async_copy(expT_hbm.at[pl.ds(dt * 8, 8), :], rows2.at[b],
                             lsem.at[b])

    issue_loads(0)

    def step(k, carry):
        h, dt, ok = strip_of(k)
        b = k % 2

        @pl.when(ok)
        def _wait_loads():
            pltpu.make_async_copy(
                evT_hbm.at[pl.ds(0, B)], idx1.at[pl.ds(b * B, B)], lsem.at[b]
            ).wait()
            pltpu.make_async_copy(
                expT_hbm.at[pl.ds(0, 8), :], rows2.at[b], lsem.at[b]
            ).wait()

        issue_loads(k + 1)

        @pl.when(ok)
        def _compute_store():
            @pl.when(k >= 2)
            def _drain_prev():
                pltpu.make_async_copy(
                    strip2.at[b], out_hbm.at[0, pl.ds(0, 8), :], ssem.at[b]
                ).wait()

            bB = b * B

            @plsc.parallel_loop(0, G, step=1, unroll=2)
            def _g(g):
                e16 = idx1[pl.ds(bB + g * 16, 16)]
                for d in range(8):
                    strip2[b, d, pl.ds(g * 16, 16)] = plsc.load_gather(
                        rows2.at[b], [dsp[d], e16]
                    )

            pltpu.async_copy(
                strip2.at[b], out_hbm.at[h, pl.ds(dt * 8, 8), :], ssem.at[b]
            )

        return carry

    lax.fori_loop(0, K_MAIN, step, 0)

    for j in (K_MAIN - 2, K_MAIN - 1):
        _, _, ok = strip_of(j)

        @pl.when(ok)
        def _drain_tail(j=j):
            pltpu.make_async_copy(
                strip2.at[j % 2], out_hbm.at[0, pl.ds(0, 8), :], ssem.at[j % 2]
            ).wait()

    def last_d(t, carry):
        h = wid + NW * t

        @pl.when(h < H)
        def _():
            pltpu.sync_copy(evT_hbm.at[pl.ds(h * B, B)], idx1.at[pl.ds(0, B)])
            pltpu.sync_copy(expT_hbm.at[pl.ds(NDT * 8, 8), :], rows2.at[0])

            @plsc.parallel_loop(0, G, step=1, unroll=2)
            def _g(g):
                e16 = idx1[pl.ds(g * 16, 16)]
                last1[0, pl.ds(g * 16, 16)] = plsc.load_gather(
                    rows2.at[0], [dsp[0], e16]
                )

            pltpu.sync_copy(last1, out_hbm.at[h, pl.ds(NDT * 8, 1), :])

        return carry

    lax.fori_loop(0, 2, last_d, 0)


_gather = pl.kernel(
    _gather_body,
    out_type=jax.ShapeDtypeStruct((H, D, B), jnp.float32),
    mesh=plsc.VectorSubcoreMesh(
        core_axis_name="c", subcore_axis_name="s", num_cores=NC, num_subcores=NS
    ),
    scratch_types=[
        pltpu.VMEM((2 * B,), jnp.int32),
        pltpu.VMEM((2, 8, EP), jnp.float32),
        pltpu.VMEM((2, 8, B), jnp.float32),
        pltpu.VMEM((1, B), jnp.float32),
        pltpu.SemaphoreType.DMA((2,)),
        pltpu.SemaphoreType.DMA((2,)),
    ],
    compiler_params=pltpu.CompilerParams(
        use_tc_tiling_on_sc=True, needs_layout_passes=False
    ),
)


@jax.jit
def kernel(events, log_sigma_weight):
    w_tp = jnp.pad(log_sigma_weight.T, ((0, DR - D), (0, EP - D)))
    expT = _exp_tableT(w_tp)
    evT = events.T.reshape(H * B)
    ot = _gather(expT, evT)
    return jnp.transpose(ot, (2, 0, 1))

# --- scband reference (transcript-rebuilt; emitter-appended) ---
"""Pipeline reference for scband-rayleigh-kernel-66846870995435 (READ-ONLY COPY).

The authoritative reference and input builder live on the scoring server;
editing this copy changes nothing except your own understanding.
"""

import jax, jax.numpy as jnp
import numpy as np

EVENT_DIM = 1000
BATCH = 4096
HIST = 50

def setup_inputs(seed: int = 0) -> dict:
    key = jax.random.key(seed)
    k_idx, k_w = jax.random.split(key)
    events = jax.random.randint(k_idx, (BATCH, HIST), 0, EVENT_DIM + 1, dtype=jnp.int64 if jax.config.jax_enable_x64 else jnp.int32).astype(jnp.int32)
    # nn.Embedding default init: N(0, 1)
    log_sigma_weight = jax.random.normal(k_w, (EVENT_DIM + 1, EVENT_DIM + 1), dtype=jnp.float32)
    return {"events": events, "log_sigma_weight": log_sigma_weight}

def reference(events, log_sigma_weight):
    # sigmas = self.log_sigma(events).exp()
    gathered = jnp.take(log_sigma_weight, events, axis=0)  # [B, L, event_dim+1]
    sigmas = jnp.exp(gathered)
    return sigmas

if __name__ == "__main__":
    import jax
    _d = setup_inputs()
    print(jax.jit(kernel)(*tuple(_d.values())))

</pallas_src>

<mosaic_0001>
#map = affine_map<(d0, d1) -> (0, 0)>
#map1 = affine_map<(d0, d1) -> (0)>
#map2 = affine_map<(d0, d1) -> (0, 0, 0)>
module attributes {stable_mosaic.version = 14 : i64} {
  func.func @_gather_body(%arg0: i32, %arg1: i32, %arg2: memref<1008x1024xf32, #tpu.memory_space<hbm>>, %arg3: memref<204800xi32, #tpu.memory_space<hbm>>, %arg4: memref<50x1001x4096xf32, #tpu.memory_space<hbm>>, %arg5: memref<8192xi32, #tpu.memory_space<vmem>>, %arg6: memref<2x8x1024xf32, #tpu.memory_space<vmem>>, %arg7: memref<2x8x4096xf32, #tpu.memory_space<vmem>>, %arg8: memref<1x4096xf32, #tpu.memory_space<vmem>>, %arg9: memref<2x!tpu.dma_semaphore, #tpu.memory_space<semaphore_mem>>, %arg10: memref<2x!tpu.dma_semaphore, #tpu.memory_space<semaphore_mem>>) attributes {dimension_semantics = [#tpu.dimension_semantics<core_parallel>, #tpu.dimension_semantics<subcore_parallel>], iteration_bounds = array<i64: 2, 16>, scalar_prefetch = 0 : i64, scratch_operands = 6 : i64, tpu.core_type = #tpu.core_type<sc_vector_subcore>, window_params = [{transform_indices = #map}, {transform_indices = #map1}, {transform_indices = #map2}]} {
    %mul3A = arith.constant 2 : i32
    %mul3A_0 = arith.muli %arg1, %mul3A : i32
    %add3A = arith.addi %mul3A_0, %arg0 : i32
    %broadcast_in_dim3A = arith.constant 0 : i32
    %broadcast_in_dim3A_1 = vector.broadcast %broadcast_in_dim3A : i32 to vector<16xi32>
    %broadcast_in_dim3A_2 = arith.constant 1 : i32
    %broadcast_in_dim3A_3 = vector.broadcast %broadcast_in_dim3A_2 : i32 to vector<16xi32>
    %broadcast_in_dim3A_4 = arith.constant 2 : i32
    %broadcast_in_dim3A_5 = vector.broadcast %broadcast_in_dim3A_4 : i32 to vector<16xi32>
    %broadcast_in_dim3A_6 = arith.constant 3 : i32
    %broadcast_in_dim3A_7 = vector.broadcast %broadcast_in_dim3A_6 : i32 to vector<16xi32>
    %broadcast_in_dim3A_8 = arith.constant 4 : i32
    %broadcast_in_dim3A_9 = vector.broadcast %broadcast_in_dim3A_8 : i32 to vector<16xi32>
    %broadcast_in_dim3A_10 = arith.constant 5 : i32
    %broadcast_in_dim3A_11 = vector.broadcast %broadcast_in_dim3A_10 : i32 to vector<16xi32>
    %broadcast_in_dim3A_12 = arith.constant 6 : i32
    %broadcast_in_dim3A_13 = vector.broadcast %broadcast_in_dim3A_12 : i32 to vector<16xi32>
    %broadcast_in_dim3A_14 = arith.constant 7 : i32
    %broadcast_in_dim3A_15 = vector.broadcast %broadcast_in_dim3A_14 : i32 to vector<16xi32>
    %add3A_16 = arith.constant 0 : i32
    %add3A_17 = arith.addi %add3A, %add3A_16 : i32
    %jit3A = arith.constant 125 : i32
    %div3A = arith.divsi %add3A_17, %jit3A : i32
    %sign3A = arith.constant 0 : i32
    %sign3A_18 = arith.cmpi sgt, %add3A_17, %sign3A : i32
    %sign3A_19 = arith.extui %sign3A_18 : i1 to i32
    %sign3A_20 = arith.constant 0 : i32
    %sign3A_21 = arith.cmpi slt, %add3A_17, %sign3A_20 : i32
    %sign3A_22 = arith.extui %sign3A_21 : i1 to i32
    %sign3A_23 = arith.subi %sign3A_19, %sign3A_22 : i32
    %sign3A_24 = arith.constant 0 : i32
    %sign3A_25 = arith.cmpi sgt, %jit3A, %sign3A_24 : i32
    %sign3A_26 = arith.extui %sign3A_25 : i1 to i32
    %sign3A_27 = arith.constant 0 : i32
    %sign3A_28 = arith.cmpi slt, %jit3A, %sign3A_27 : i32
    %sign3A_29 = arith.extui %sign3A_28 : i1 to i32
    %sign3A_30 = arith.subi %sign3A_26, %sign3A_29 : i32
    %ne3A = arith.cmpi ne, %sign3A_23, %sign3A_30 : i32
    %rem3A = arith.remsi %add3A_17, %jit3A : i32
    %ne3A_31 = arith.constant 0 : i32
    %ne3A_32 = arith.cmpi ne, %rem3A, %ne3A_31 : i32
    %and3A = arith.andi %ne3A, %ne3A_32 : i1
    %sub3A = arith.constant 1 : i32
    %sub3A_33 = arith.subi %div3A, %sub3A : i32
    %select_n3A = arith.select %and3A, %sub3A_33, %div3A : i32
    %jit3A_34 = arith.constant 125 : i32
    %eq3A = arith.constant 0 : i32
    %eq3A_35 = arith.cmpi eq, %jit3A_34, %eq3A : i32
    %jit3A_36 = arith.constant 1 : i32
    %select_n3A_37 = arith.select %eq3A_35, %jit3A_36, %jit3A_34 : i32
    %rem3A_38 = arith.remsi %add3A_17, %select_n3A_37 : i32
    %ne3A_39 = arith.constant 0 : i32
    %ne3A_40 = arith.cmpi ne, %rem3A_38, %ne3A_39 : i32
    %lt3A = arith.constant 0 : i32
    %lt3A_41 = arith.cmpi slt, %rem3A_38, %lt3A : i32
    %lt3A_42 = arith.constant 0 : i32
    %lt3A_43 = arith.cmpi slt, %select_n3A_37, %lt3A_42 : i32
    %ne3A_44 = arith.xori %lt3A_41, %lt3A_43 : i1
    %and3A_45 = arith.andi %ne3A_44, %ne3A_40 : i1
    %add3A_46 = arith.addi %rem3A_38, %select_n3A_37 : i32
    %select_n3A_47 = arith.select %and3A_45, %add3A_46, %rem3A_38 : i32
    %lt3A_48 = arith.constant 6250 : i32
    %lt3A_49 = arith.cmpi slt, %add3A_17, %lt3A_48 : i32
    %convert_element_type3A = arith.extui %lt3A_49 : i1 to i32
    %cond3A = arith.constant 0 : i32
    %cond3A_50 = arith.cmpi ne, %convert_element_type3A, %cond3A : i32
    scf.if %cond3A_50 {
      %mul3A_156 = arith.constant 4096 : i32
      %mul3A_157 = arith.muli %select_n3A, %mul3A_156 : i32
      %dma_start3A = arith.constant 0 : i32
      %dma_start3A_158 = arith.constant 0 : i32
      %dma_start3A_159 = tpu.memref_slice %arg5[%dma_start3A_158] : memref<8192xi32, #tpu.memory_space<vmem>> -> memref<4096xi32, #tpu.memory_space<vmem>>
      %dma_start3A_160 = tpu.memref_slice %arg3[%mul3A_157] : memref<204800xi32, #tpu.memory_space<hbm>> -> memref<4096xi32, #tpu.memory_space<hbm>>
      %dma_start3A_161 = tpu.memref_slice %arg9[%dma_start3A] : memref<2x!tpu.dma_semaphore, #tpu.memory_space<semaphore_mem>> -> memref<1x!tpu.dma_semaphore, #tpu.memory_space<semaphore_mem>>
      %dma_start3A_162 = tpu.memref_squeeze %dma_start3A_161 : memref<1x!tpu.dma_semaphore, #tpu.memory_space<semaphore_mem>> -> memref<!tpu.dma_semaphore, #tpu.memory_space<semaphore_mem>>
      %dma_start3A_163 = arith.constant 0 : i32
      %dma_start3A_164 = tpu.memref_slice %arg5[%dma_start3A_163] : memref<8192xi32, #tpu.memory_space<vmem>> -> memref<4096xi32, #tpu.memory_space<vmem>>
      %dma_start3A_165 = tpu.memref_slice %arg3[%mul3A_157] : memref<204800xi32, #tpu.memory_space<hbm>> -> memref<4096xi32, #tpu.memory_space<hbm>>
      tpu.enqueue_dma source(%dma_start3A_165 : memref<4096xi32, #tpu.memory_space<hbm>>) target(%dma_start3A_164 : memref<4096xi32, #tpu.memory_space<vmem>>) target_semaphore(%dma_start3A_162 : memref<!tpu.dma_semaphore, #tpu.memory_space<semaphore_mem>>)
      %mul3A_166 = arith.constant 8 : i32
      %mul3A_167 = arith.muli %select_n3A_47, %mul3A_166 : i32
      %dma_start3A_168 = arith.constant 0 : i32
      %dma_start3A_169 = arith.constant 0 : i32
      %dma_start3A_170 = arith.constant 0 : i32
      %dma_start3A_171 = arith.constant 0 : i32
      %dma_start3A_172 = tpu.memref_slice %arg6[%dma_start3A_168, %dma_start3A_170, %dma_start3A_171] : memref<2x8x1024xf32, #tpu.memory_space<vmem>> -> memref<1x8x1024xf32, #tpu.memory_space<vmem>>
      %dma_start3A_173 = tpu.memref_squeeze %dma_start3A_172 : memref<1x8x1024xf32, #tpu.memory_space<vmem>> -> memref<8x1024xf32, #tpu.memory_space<vmem>>
      %dma_start3A_174 = arith.constant 0 : i32
      %dma_start3A_175 = tpu.memref_slice %arg2[%mul3A_167, %dma_start3A_174] : memref<1008x1024xf32, #tpu.memory_space<hbm>> -> memref<8x1024xf32, #tpu.memory_space<hbm>>
      %dma_start3A_176 = tpu.memref_slice %arg9[%dma_start3A_169] : memref<2x!tpu.dma_semaphore, #tpu.memory_space<semaphore_mem>> -> memref<1x!tpu.dma_semaphore, #tpu.memory_space<semaphore_mem>>
      %dma_start3A_177 = tpu.memref_squeeze %dma_start3A_176 : memref<1x!tpu.dma_semaphore, #tpu.memory_space<semaphore_mem>> -> memref<!tpu.dma_semaphore, #tpu.memory_space<semaphore_mem>>
      %dma_start3A_178 = arith.constant 0 : i32
      %dma_start3A_179 = arith.constant 0 : i32
      %dma_start3A_180 = tpu.memref_slice %arg6[%dma_start3A_168, %dma_start3A_178, %dma_start3A_179] : memref<2x8x1024xf32, #tpu.memory_space<vmem>> -> memref<1x8x1024xf32, #tpu.memory_space<vmem>>
      %dma_start3A_181 = tpu.memref_squeeze %dma_start3A_180 : memref<1x8x1024xf32, #tpu.memory_space<vmem>> -> memref<8x1024xf32, #tpu.memory_space<vmem>>
      %dma_start3A_182 = arith.constant 0 : i32
      %dma_start3A_183 = tpu.memref_slice %arg2[%mul3A_167, %dma_start3A_182] : memref<1008x1024xf32, #tpu.memory_space<hbm>> -> memref<8x1024xf32, #tpu.memory_space<hbm>>
      tpu.enqueue_dma source(%dma_start3A_183 : memref<8x1024xf32, #tpu.memory_space<hbm>>) target(%dma_start3A_181 : memref<8x1024xf32, #tpu.memory_space<vmem>>) target_semaphore(%dma_start3A_177 : memref<!tpu.dma_semaphore, #tpu.memory_space<semaphore_mem>>)
    } else {
    }
    %scan3A = arith.constant 0 : i32
    %scan3A_51 = arith.constant 0 : i32
    %scan3A_52 = arith.constant 196 : i32
    %scan3A_53 = arith.addi %scan3A_51, %scan3A_52 : i32
    %scan3A_54 = arith.constant 1 : i32
    scf.for %scan3A_156 = %scan3A_51 to %scan3A_53 step %scan3A_54  : i32 {
      %mul3A_157 = arith.constant 32 : i32
      %mul3A_158 = arith.muli %mul3A_157, %scan3A_156 : i32
      %add3A_159 = arith.addi %add3A, %mul3A_158 : i32
      %jit3A_160 = arith.constant 125 : i32
      %div3A_161 = arith.divsi %add3A_159, %jit3A_160 : i32
      %sign3A_162 = arith.constant 0 : i32
      %sign3A_163 = arith.cmpi sgt, %add3A_159, %sign3A_162 : i32
      %sign3A_164 = arith.extui %sign3A_163 : i1 to i32
      %sign3A_165 = arith.constant 0 : i32
      %sign3A_166 = arith.cmpi slt, %add3A_159, %sign3A_165 : i32
      %sign3A_167 = arith.extui %sign3A_166 : i1 to i32
      %sign3A_168 = arith.subi %sign3A_164, %sign3A_167 : i32
      %sign3A_169 = arith.constant 0 : i32
      %sign3A_170 = arith.cmpi sgt, %jit3A_160, %sign3A_169 : i32
      %sign3A_171 = arith.extui %sign3A_170 : i1 to i32
      %sign3A_172 = arith.constant 0 : i32
      %sign3A_173 = arith.cmpi slt, %jit3A_160, %sign3A_172 : i32
      %sign3A_174 = arith.extui %sign3A_173 : i1 to i32
      %sign3A_175 = arith.subi %sign3A_171, %sign3A_174 : i32
      %ne3A_176 = arith.cmpi ne, %sign3A_168, %sign3A_175 : i32
      %rem3A_177 = arith.remsi %add3A_159, %jit3A_160 : i32
      %ne3A_178 = arith.constant 0 : i32
      %ne3A_179 = arith.cmpi ne, %rem3A_177, %ne3A_178 : i32
      %and3A_180 = arith.andi %ne3A_176, %ne3A_179 : i1
      %sub3A_181 = arith.constant 1 : i32
      %sub3A_182 = arith.subi %div3A_161, %sub3A_181 : i32
      %select_n3A_183 = arith.select %and3A_180, %sub3A_182, %div3A_161 : i32
      %jit3A_184 = arith.constant 125 : i32
      %eq3A_185 = arith.constant 0 : i32
      %eq3A_186 = arith.cmpi eq, %jit3A_184, %eq3A_185 : i32
      %jit3A_187 = arith.constant 1 : i32
      %select_n3A_188 = arith.select %eq3A_186, %jit3A_187, %jit3A_184 : i32
      %rem3A_189 = arith.remsi %add3A_159, %select_n3A_188 : i32
      %ne3A_190 = arith.constant 0 : i32
      %ne3A_191 = arith.cmpi ne, %rem3A_189, %ne3A_190 : i32
      %lt3A_192 = arith.constant 0 : i32
      %lt3A_193 = arith.cmpi slt, %rem3A_189, %lt3A_192 : i32
      %lt3A_194 = arith.constant 0 : i32
      %lt3A_195 = arith.cmpi slt, %select_n3A_188, %lt3A_194 : i32
      %ne3A_196 = arith.xori %lt3A_193, %lt3A_195 : i1
      %and3A_197 = arith.andi %ne3A_196, %ne3A_191 : i1
      %add3A_198 = arith.addi %rem3A_189, %select_n3A_188 : i32
      %select_n3A_199 = arith.select %and3A_197, %add3A_198, %rem3A_189 : i32
      %lt3A_200 = arith.constant 6250 : i32
      %lt3A_201 = arith.cmpi slt, %add3A_159, %lt3A_200 : i32
      %jit3A_202 = arith.constant 2 : i32
      %eq3A_203 = arith.constant 0 : i32
      %eq3A_204 = arith.cmpi eq, %jit3A_202, %eq3A_203 : i32
      %jit3A_205 = arith.constant 1 : i32
      %select_n3A_206 = arith.select %eq3A_204, %jit3A_205, %jit3A_202 : i32
      %rem3A_207 = arith.remsi %scan3A_156, %select_n3A_206 : i32
      %ne3A_208 = arith.constant 0 : i32
      %ne3A_209 = arith.cmpi ne, %rem3A_207, %ne3A_208 : i32
      %lt3A_210 = arith.constant 0 : i32
      %lt3A_211 = arith.cmpi slt, %rem3A_207, %lt3A_210 : i32
      %lt3A_212 = arith.constant 0 : i32
      %lt3A_213 = arith.cmpi slt, %select_n3A_206, %lt3A_212 : i32
      %ne3A_214 = arith.xori %lt3A_211, %lt3A_213 : i1
      %and3A_215 = arith.andi %ne3A_214, %ne3A_209 : i1
      %add3A_216 = arith.addi %rem3A_207, %select_n3A_206 : i32
      %select_n3A_217 = arith.select %and3A_215, %add3A_216, %rem3A_207 : i32
      %convert_element_type3A_218 = arith.extui %lt3A_201 : i1 to i32
      %cond3A_219 = arith.constant 0 : i32
      %cond3A_220 = arith.cmpi ne, %convert_element_type3A_218, %cond3A_219 : i32
      scf.if %cond3A_220 {
        %mul3A_290 = arith.constant 4096 : i32
        %mul3A_291 = arith.muli %select_n3A_217, %mul3A_290 : i32
        %dma_wait3A = tpu.memref_slice %arg5[%mul3A_291] : memref<8192xi32, #tpu.memory_space<vmem>> -> memref<4096xi32, #tpu.memory_space<vmem>>
        %dma_wait3A_292 = arith.constant 0 : i32
        %dma_wait3A_293 = tpu.memref_slice %arg3[%dma_wait3A_292] : memref<204800xi32, #tpu.memory_space<hbm>> -> memref<4096xi32, #tpu.memory_space<hbm>>
        %dma_wait3A_294 = tpu.memref_slice %arg9[%select_n3A_217] : memref<2x!tpu.dma_semaphore, #tpu.memory_space<semaphore_mem>> -> memref<1x!tpu.dma_semaphore, #tpu.memory_space<semaphore_mem>>
        %dma_wait3A_295 = tpu.memref_squeeze %dma_wait3A_294 : memref<1x!tpu.dma_semaphore, #tpu.memory_space<semaphore_mem>> -> memref<!tpu.dma_semaphore, #tpu.memory_space<semaphore_mem>>
        %dma_wait3A_296 = tpu.memref_slice %arg5[%mul3A_291] : memref<8192xi32, #tpu.memory_space<vmem>> -> memref<4096xi32, #tpu.memory_space<vmem>>
        %dma_wait3A_297 = arith.constant 0 : i32
        %dma_wait3A_298 = tpu.memref_slice %arg3[%dma_wait3A_297] : memref<204800xi32, #tpu.memory_space<hbm>> -> memref<4096xi32, #tpu.memory_space<hbm>>
        tpu.wait_dma2 semaphore(%dma_wait3A_295 : memref<!tpu.dma_semaphore, #tpu.memory_space<semaphore_mem>>) src(%dma_wait3A_298 : memref<4096xi32, #tpu.memory_space<hbm>>) dst(%dma_wait3A_296 : memref<4096xi32, #tpu.memory_space<vmem>>)
        %dma_wait3A_299 = arith.constant 0 : i32
        %dma_wait3A_300 = arith.constant 0 : i32
        %dma_wait3A_301 = tpu.memref_slice %arg6[%select_n3A_217, %dma_wait3A_299, %dma_wait3A_300] : memref<2x8x1024xf32, #tpu.memory_space<vmem>> -> memref<1x8x1024xf32, #tpu.memory_space<vmem>>
        %dma_wait3A_302 = tpu.memref_squeeze %dma_wait3A_301 : memref<1x8x1024xf32, #tpu.memory_space<vmem>> -> memref<8x1024xf32, #tpu.memory_space<vmem>>
        %dma_wait3A_303 = arith.constant 0 : i32
        %dma_wait3A_304 = arith.constant 0 : i32
        %dma_wait3A_305 = tpu.memref_slice %arg2[%dma_wait3A_303, %dma_wait3A_304] : memref<1008x1024xf32, #tpu.memory_space<hbm>> -> memref<8x1024xf32, #tpu.memory_space<hbm>>
        %dma_wait3A_306 = tpu.memref_slice %arg9[%select_n3A_217] : memref<2x!tpu.dma_semaphore, #tpu.memory_space<semaphore_mem>> -> memref<1x!tpu.dma_semaphore, #tpu.memory_space<semaphore_mem>>
        %dma_wait3A_307 = tpu.memref_squeeze %dma_wait3A_306 : memref<1x!tpu.dma_semaphore, #tpu.memory_space<semaphore_mem>> -> memref<!tpu.dma_semaphore, #tpu.memory_space<semaphore_mem>>
        %dma_wait3A_308 = arith.constant 0 : i32
        %dma_wait3A_309 = arith.constant 0 : i32
        %dma_wait3A_310 = tpu.memref_slice %arg6[%select_n3A_217, %dma_wait3A_308, %dma_wait3A_309] : memref<2x8x1024xf32, #tpu.memory_space<vmem>> -> memref<1x8x1024xf32, #tpu.memory_space<vmem>>
        %dma_wait3A_311 = tpu.memref_squeeze %dma_wait3A_310 : memref<1x8x1024xf32, #tpu.memory_space<vmem>> -> memref<8x1024xf32, #tpu.memory_space<vmem>>
        %dma_wait3A_312 = arith.constant 0 : i32
        %dma_wait3A_313 = arith.constant 0 : i32
        %dma_wait3A_314 = tpu.memref_slice %arg2[%dma_wait3A_312, %dma_wait3A_313] : memref<1008x1024xf32, #tpu.memory_space<hbm>> -> memref<8x1024xf32, #tpu.memory_space<hbm>>
        tpu.wait_dma2 semaphore(%dma_wait3A_307 : memref<!tpu.dma_semaphore, #tpu.memory_space<semaphore_mem>>) src(%dma_wait3A_314 : memref<8x1024xf32, #tpu.memory_space<hbm>>) dst(%dma_wait3A_311 : memref<8x1024xf32, #tpu.memory_space<vmem>>)
      } else {
      }
      %add3A_221 = arith.constant 1 : i32
      %add3A_222 = arith.addi %scan3A_156, %add3A_221 : i32
      %mul3A_223 = arith.constant 32 : i32
      %mul3A_224 = arith.muli %mul3A_223, %add3A_222 : i32
      %add3A_225 = arith.addi %add3A, %mul3A_224 : i32
      %jit3A_226 = arith.constant 125 : i32
      %div3A_227 = arith.divsi %add3A_225, %jit3A_226 : i32
      %sign3A_228 = arith.constant 0 : i32
      %sign3A_229 = arith.cmpi sgt, %add3A_225, %sign3A_228 : i32
      %sign3A_230 = arith.extui %sign3A_229 : i1 to i32
      %sign3A_231 = arith.constant 0 : i32
      %sign3A_232 = arith.cmpi slt, %add3A_225, %sign3A_231 : i32
      %sign3A_233 = arith.extui %sign3A_232 : i1 to i32
      %sign3A_234 = arith.subi %sign3A_230, %sign3A_233 : i32
      %sign3A_235 = arith.constant 0 : i32
      %sign3A_236 = arith.cmpi sgt, %jit3A_226, %sign3A_235 : i32
      %sign3A_237 = arith.extui %sign3A_236 : i1 to i32
      %sign3A_238 = arith.constant 0 : i32
      %sign3A_239 = arith.cmpi slt, %jit3A_226, %sign3A_238 : i32
      %sign3A_240 = arith.extui %sign3A_239 : i1 to i32
      %sign3A_241 = arith.subi %sign3A_237, %sign3A_240 : i32
      %ne3A_242 = arith.cmpi ne, %sign3A_234, %sign3A_241 : i32
      %rem3A_243 = arith.remsi %add3A_225, %jit3A_226 : i32
      %ne3A_244 = arith.constant 0 : i32
      %ne3A_245 = arith.cmpi ne, %rem3A_243, %ne3A_244 : i32
      %and3A_246 = arith.andi %ne3A_242, %ne3A_245 : i1
      %sub3A_247 = arith.constant 1 : i32
      %sub3A_248 = arith.subi %div3A_227, %sub3A_247 : i32
      %select_n3A_249 = arith.select %and3A_246, %sub3A_248, %div3A_227 : i32
      %jit3A_250 = arith.constant 125 : i32
      %eq3A_251 = arith.constant 0 : i32
      %eq3A_252 = arith.cmpi eq, %jit3A_250, %eq3A_251 : i32
      %jit3A_253 = arith.constant 1 : i32
      %select_n3A_254 = arith.select %eq3A_252, %jit3A_253, %jit3A_250 : i32
      %rem3A_255 = arith.remsi %add3A_225, %select_n3A_254 : i32
      %ne3A_256 = arith.constant 0 : i32
      %ne3A_257 = arith.cmpi ne, %rem3A_255, %ne3A_256 : i32
      %lt3A_258 = arith.constant 0 : i32
      %lt3A_259 = arith.cmpi slt, %rem3A_255, %lt3A_258 : i32
      %lt3A_260 = arith.constant 0 : i32
      %lt3A_261 = arith.cmpi slt, %select_n3A_254, %lt3A_260 : i32
      %ne3A_262 = arith.xori %lt3A_259, %lt3A_261 : i1
      %and3A_263 = arith.andi %ne3A_262, %ne3A_257 : i1
      %add3A_264 = arith.addi %rem3A_255, %select_n3A_254 : i32
      %select_n3A_265 = arith.select %and3A_263, %add3A_264, %rem3A_255 : i32
      %lt3A_266 = arith.constant 6250 : i32
      %lt3A_267 = arith.cmpi slt, %add3A_225, %lt3A_266 : i32
      %jit3A_268 = arith.constant 2 : i32
      %eq3A_269 = arith.constant 0 : i32
      %eq3A_270 = arith.cmpi eq, %jit3A_268, %eq3A_269 : i32
      %jit3A_271 = arith.constant 1 : i32
      %select_n3A_272 = arith.select %eq3A_270, %jit3A_271, %jit3A_268 : i32
      %rem3A_273 = arith.remsi %add3A_222, %select_n3A_272 : i32
      %ne3A_274 = arith.constant 0 : i32
      %ne3A_275 = arith.cmpi ne, %rem3A_273, %ne3A_274 : i32
      %lt3A_276 = arith.constant 0 : i32
      %lt3A_277 = arith.cmpi slt, %rem3A_273, %lt3A_276 : i32
      %lt3A_278 = arith.constant 0 : i32
      %lt3A_279 = arith.cmpi slt, %select_n3A_272, %lt3A_278 : i32
      %ne3A_280 = arith.xori %lt3A_277, %lt3A_279 : i1
      %and3A_281 = arith.andi %ne3A_280, %ne3A_275 : i1
      %add3A_282 = arith.addi %rem3A_273, %select_n3A_272 : i32
      %select_n3A_283 = arith.select %and3A_281, %add3A_282, %rem3A_273 : i32
      %convert_element_type3A_284 = arith.extui %lt3A_267 : i1 to i32
      %cond3A_285 = arith.constant 0 : i32
      %cond3A_286 = arith.cmpi ne, %convert_element_type3A_284, %cond3A_285 : i32
      scf.if %cond3A_286 {
        %mul3A_290 = arith.constant 4096 : i32
        %mul3A_291 = arith.muli %select_n3A_249, %mul3A_290 : i32
        %mul3A_292 = arith.constant 4096 : i32
        %mul3A_293 = arith.muli %select_n3A_283, %mul3A_292 : i32
        %dma_start3A = tpu.memref_slice %arg5[%mul3A_293] : memref<8192xi32, #tpu.memory_space<vmem>> -> memref<4096xi32, #tpu.memory_space<vmem>>
        %dma_start3A_294 = tpu.memref_slice %arg3[%mul3A_291] : memref<204800xi32, #tpu.memory_space<hbm>> -> memref<4096xi32, #tpu.memory_space<hbm>>
        %dma_start3A_295 = tpu.memref_slice %arg9[%select_n3A_283] : memref<2x!tpu.dma_semaphore, #tpu.memory_space<semaphore_mem>> -> memref<1x!tpu.dma_semaphore, #tpu.memory_space<semaphore_mem>>
        %dma_start3A_296 = tpu.memref_squeeze %dma_start3A_295 : memref<1x!tpu.dma_semaphore, #tpu.memory_space<semaphore_mem>> -> memref<!tpu.dma_semaphore, #tpu.memory_space<semaphore_mem>>
        %dma_start3A_297 = tpu.memref_slice %arg5[%mul3A_293] : memref<8192xi32, #tpu.memory_space<vmem>> -> memref<4096xi32, #tpu.memory_space<vmem>>
        %dma_start3A_298 = tpu.memref_slice %arg3[%mul3A_291] : memref<204800xi32, #tpu.memory_space<hbm>> -> memref<4096xi32, #tpu.memory_space<hbm>>
        tpu.enqueue_dma source(%dma_start3A_298 : memref<4096xi32, #tpu.memory_space<hbm>>) target(%dma_start3A_297 : memref<4096xi32, #tpu.memory_space<vmem>>) target_semaphore(%dma_start3A_296 : memref<!tpu.dma_semaphore, #tpu.memory_space<semaphore_mem>>)
        %mul3A_299 = arith.constant 8 : i32
        %mul3A_300 = arith.muli %select_n3A_265, %mul3A_299 : i32
        %dma_start3A_301 = arith.constant 0 : i32
        %dma_start3A_302 = arith.constant 0 : i32
        %dma_start3A_303 = tpu.memref_slice %arg6[%select_n3A_283, %dma_start3A_301, %dma_start3A_302] : memref<2x8x1024xf32, #tpu.memory_space<vmem>> -> memref<1x8x1024xf32, #tpu.memory_space<vmem>>
        %dma_start3A_304 = tpu.memref_squeeze %dma_start3A_303 : memref<1x8x1024xf32, #tpu.memory_space<vmem>> -> memref<8x1024xf32, #tpu.memory_space<vmem>>
        %dma_start3A_305 = arith.constant 0 : i32
        %dma_start3A_306 = tpu.memref_slice %arg2[%mul3A_300, %dma_start3A_305] : memref<1008x1024xf32, #tpu.memory_space<hbm>> -> memref<8x1024xf32, #tpu.memory_space<hbm>>
        %dma_start3A_307 = tpu.memref_slice %arg9[%select_n3A_283] : memref<2x!tpu.dma_semaphore, #tpu.memory_space<semaphore_mem>> -> memref<1x!tpu.dma_semaphore, #tpu.memory_space<semaphore_mem>>
        %dma_start3A_308 = tpu.memref_squeeze %dma_start3A_307 : memref<1x!tpu.dma_semaphore, #tpu.memory_space<semaphore_mem>> -> memref<!tpu.dma_semaphore, #tpu.memory_space<semaphore_mem>>
        %dma_start3A_309 = arith.constant 0 : i32
        %dma_start3A_310 = arith.constant 0 : i32
        %dma_start3A_311 = tpu.memref_slice %arg6[%select_n3A_283, %dma_start3A_309, %dma_start3A_310] : memref<2x8x1024xf32, #tpu.memory_space<vmem>> -> memref<1x8x1024xf32, #tpu.memory_space<vmem>>
        %dma_start3A_312 = tpu.memref_squeeze %dma_start3A_311 : memref<1x8x1024xf32, #tpu.memory_space<vmem>> -> memref<8x1024xf32, #tpu.memory_space<vmem>>
        %dma_start3A_313 = arith.constant 0 : i32
        %dma_start3A_314 = tpu.memref_slice %arg2[%mul3A_300, %dma_start3A_313] : memref<1008x1024xf32, #tpu.memory_space<hbm>> -> memref<8x1024xf32, #tpu.memory_space<hbm>>
        tpu.enqueue_dma source(%dma_start3A_314 : memref<8x1024xf32, #tpu.memory_space<hbm>>) target(%dma_start3A_312 : memref<8x1024xf32, #tpu.memory_space<vmem>>) target_semaphore(%dma_start3A_308 : memref<!tpu.dma_semaphore, #tpu.memory_space<semaphore_mem>>)
      } else {
      }
      %convert_element_type3A_287 = arith.extui %lt3A_201 : i1 to i32
      %cond3A_288 = arith.constant 0 : i32
      %cond3A_289 = arith.cmpi ne, %convert_element_type3A_287, %cond3A_288 : i32
      scf.if %cond3A_289 {
        %ge3A = arith.constant 2 : i32
        %ge3A_290 = arith.cmpi sge, %scan3A_156, %ge3A : i32
        %convert_element_type3A_291 = arith.extui %ge3A_290 : i1 to i32
        %cond3A_292 = arith.constant 0 : i32
        %cond3A_293 = arith.cmpi ne, %convert_element_type3A_291, %cond3A_292 : i32
        scf.if %cond3A_293 {
          %dma_wait3A = arith.constant 0 : i32
          %dma_wait3A_315 = arith.constant 0 : i32
          %dma_wait3A_316 = arith.constant 0 : i32
          %dma_wait3A_317 = tpu.memref_slice %arg7[%select_n3A_217, %dma_wait3A_315, %dma_wait3A_316] : memref<2x8x4096xf32, #tpu.memory_space<vmem>> -> memref<1x8x4096xf32, #tpu.memory_space<vmem>>
          %dma_wait3A_318 = tpu.memref_squeeze %dma_wait3A_317 : memref<1x8x4096xf32, #tpu.memory_space<vmem>> -> memref<8x4096xf32, #tpu.memory_space<vmem>>
          %dma_wait3A_319 = arith.constant 0 : i32
          %dma_wait3A_320 = arith.constant 0 : i32
          %dma_wait3A_321 = tpu.memref_slice %arg4[%dma_wait3A, %dma_wait3A_319, %dma_wait3A_320] : memref<50x1001x4096xf32, #tpu.memory_space<hbm>> -> memref<1x8x4096xf32, #tpu.memory_space<hbm>>
          %dma_wait3A_322 = tpu.memref_squeeze %dma_wait3A_321 : memref<1x8x4096xf32, #tpu.memory_space<hbm>> -> memref<8x4096xf32, #tpu.memory_space<hbm>>
          %dma_wait3A_323 = tpu.memref_slice %arg10[%select_n3A_217] : memref<2x!tpu.dma_semaphore, #tpu.memory_space<semaphore_mem>> -> memref<1x!tpu.dma_semaphore, #tpu.memory_space<semaphore_mem>>
          %dma_wait3A_324 = tpu.memref_squeeze %dma_wait3A_323 : memref<1x!tpu.dma_semaphore, #tpu.memory_space<semaphore_mem>> -> memref<!tpu.dma_semaphore, #tpu.memory_space<semaphore_mem>>
          %dma_wait3A_325 = arith.constant 0 : i32
          %dma_wait3A_326 = arith.constant 0 : i32
          %dma_wait3A_327 = tpu.memref_slice %arg4[%dma_wait3A, %dma_wait3A_325, %dma_wait3A_326] : memref<50x1001x4096xf32, #tpu.memory_space<hbm>> -> memref<1x8x4096xf32, #tpu.memory_space<hbm>>
          %dma_wait3A_328 = tpu.memref_squeeze %dma_wait3A_327 : memref<1x8x4096xf32, #tpu.memory_space<hbm>> -> memref<8x4096xf32, #tpu.memory_space<hbm>>
          %dma_wait3A_329 = arith.constant 0 : i32
          %dma_wait3A_330 = arith.constant 0 : i32
          %dma_wait3A_331 = tpu.memref_slice %arg7[%select_n3A_217, %dma_wait3A_329, %dma_wait3A_330] : memref<2x8x4096xf32, #tpu.memory_space<vmem>> -> memref<1x8x4096xf32, #tpu.memory_space<vmem>>
          %dma_wait3A_332 = tpu.memref_squeeze %dma_wait3A_331 : memref<1x8x4096xf32, #tpu.memory_space<vmem>> -> memref<8x4096xf32, #tpu.memory_space<vmem>>
          tpu.wait_dma2 semaphore(%dma_wait3A_324 : memref<!tpu.dma_semaphore, #tpu.memory_space<semaphore_mem>>) src(%dma_wait3A_332 : memref<8x4096xf32, #tpu.memory_space<vmem>>) dst(%dma_wait3A_328 : memref<8x4096xf32, #tpu.memory_space<hbm>>)
        } else {
        }
        %mul3A_294 = arith.constant 4096 : i32
        %mul3A_295 = arith.muli %select_n3A_217, %mul3A_294 : i32
        %parallel_loop3A = arith.constant 0 : i32
        %parallel_loop3A_296 = arith.constant 256 : i32
        %parallel_loop3A_297 = arith.constant 1 : i32
        scf.for %parallel_loop3A_315 = %parallel_loop3A to %parallel_loop3A_296 step %parallel_loop3A_297  : i32 {
          %parallel_loop3A_316 = arith.constant 16 : i32
          %parallel_loop3A_317 = arith.muli %parallel_loop3A_315, %parallel_loop3A_316 : i32
          %parallel_loop3A_318 = arith.addi %mul3A_295, %parallel_loop3A_317 : i32
          %parallel_loop3A_319 = arith.index_cast %parallel_loop3A_318 : i32 to index
          %parallel_loop3A_320 = tpu.vector_load %arg5[%parallel_loop3A_319] {strides = array<i32>} : memref<8192xi32, #tpu.memory_space<vmem>>, vector<16xi32>,
          %parallel_loop3A_321 = arith.constant 0 : i32
          %parallel_loop3A_322 = arith.constant 0 : i32
          %parallel_loop3A_323 = tpu.memref_slice %arg6[%select_n3A_217, %parallel_loop3A_321, %parallel_loop3A_322] : memref<2x8x1024xf32, #tpu.memory_space<vmem>> -> memref<1x8x1024xf32, #tpu.memory_space<vmem>>
          %parallel_loop3A_324 = tpu.memref_squeeze %parallel_loop3A_323 : memref<1x8x1024xf32, #tpu.memory_space<vmem>> -> memref<8x1024xf32, #tpu.memory_space<vmem>>
          %parallel_loop3A_325 = tpu.vector_load_idx %parallel_loop3A_324[%broadcast_in_dim3A_1, %parallel_loop3A_320] : memref<8x1024xf32, #tpu.memory_space<vmem>>[vector<16xi32>, vector<16xi32>], vector<16xf32>,
          %parallel_loop3A_326 = arith.constant 16 : i32
          %parallel_loop3A_327 = arith.muli %parallel_loop3A_315, %parallel_loop3A_326 : i32
          %parallel_loop3A_328 = arith.constant 0 : i32
          %parallel_loop3A_329 = arith.index_cast %select_n3A_217 : i32 to index
          %parallel_loop3A_330 = arith.index_cast %parallel_loop3A_328 : i32 to index
          %parallel_loop3A_331 = arith.index_cast %parallel_loop3A_327 : i32 to index
          %parallel_loop3A_332 = tpu.vector_load %arg7[%parallel_loop3A_329, %parallel_loop3A_330, %parallel_loop3A_331] {strides = array<i32>} : memref<2x8x4096xf32, #tpu.memory_space<vmem>>, vector<16xf32>,
          tpu.vector_store %arg7[%parallel_loop3A_329, %parallel_loop3A_330, %parallel_loop3A_331], %parallel_loop3A_325 {strides = array<i32>} : memref<2x8x4096xf32, #tpu.memory_space<vmem>>, vector<16xf32>,
          %parallel_loop3A_333 = arith.constant 0 : i32
          %parallel_loop3A_334 = arith.constant 0 : i32
          %parallel_loop3A_335 = tpu.memref_slice %arg6[%select_n3A_217, %parallel_loop3A_333, %parallel_loop3A_334] : memref<2x8x1024xf32, #tpu.memory_space<vmem>> -> memref<1x8x1024xf32, #tpu.memory_space<vmem>>
          %parallel_loop3A_336 = tpu.memref_squeeze %parallel_loop3A_335 : memref<1x8x1024xf32, #tpu.memory_space<vmem>> -> memref<8x1024xf32, #tpu.memory_space<vmem>>
          %parallel_loop3A_337 = tpu.vector_load_idx %parallel_loop3A_336[%broadcast_in_dim3A_3, %parallel_loop3A_320] : memref<8x1024xf32, #tpu.memory_space<vmem>>[vector<16xi32>, vector<16xi32>], vector<16xf32>,
          %parallel_loop3A_338 = arith.constant 16 : i32
          %parallel_loop3A_339 = arith.muli %parallel_loop3A_315, %parallel_loop3A_338 : i32
          %parallel_loop3A_340 = arith.constant 1 : i32
          %parallel_loop3A_341 = arith.index_cast %select_n3A_217 : i32 to index
          %parallel_loop3A_342 = arith.index_cast %parallel_loop3A_340 : i32 to index
          %parallel_loop3A_343 = arith.index_cast %parallel_loop3A_339 : i32 to index
          %parallel_loop3A_344 = tpu.vector_load %arg7[%parallel_loop3A_341, %parallel_loop3A_342, %parallel_loop3A_343] {strides = array<i32>} : memref<2x8x4096xf32, #tpu.memory_space<vmem>>, vector<16xf32>,
          tpu.vector_store %arg7[%parallel_loop3A_341, %parallel_loop3A_342, %parallel_loop3A_343], %parallel_loop3A_337 {strides = array<i32>} : memref<2x8x4096xf32, #tpu.memory_space<vmem>>, vector<16xf32>,
          %parallel_loop3A_345 = arith.constant 0 : i32
          %parallel_loop3A_346 = arith.constant 0 : i32
          %parallel_loop3A_347 = tpu.memref_slice %arg6[%select_n3A_217, %parallel_loop3A_345, %parallel_loop3A_346] : memref<2x8x1024xf32, #tpu.memory_space<vmem>> -> memref<1x8x1024xf32, #tpu.memory_space<vmem>>
          %parallel_loop3A_348 = tpu.memref_squeeze %parallel_loop3A_347 : memref<1x8x1024xf32, #tpu.memory_space<vmem>> -> memref<8x1024xf32, #tpu.memory_space<vmem>>
          %parallel_loop3A_349 = tpu.vector_load_idx %parallel_loop3A_348[%broadcast_in_dim3A_5, %parallel_loop3A_320] : memref<8x1024xf32, #tpu.memory_space<vmem>>[vector<16xi32>, vector<16xi32>], vector<16xf32>,
          %parallel_loop3A_350 = arith.constant 16 : i32
          %parallel_loop3A_351 = arith.muli %parallel_loop3A_315, %parallel_loop3A_350 : i32
          %parallel_loop3A_352 = arith.constant 2 : i32
          %parallel_loop3A_353 = arith.index_cast %select_n3A_217 : i32 to index
          %parallel_loop3A_354 = arith.index_cast %parallel_loop3A_352 : i32 to index
          %parallel_loop3A_355 = arith.index_cast %parallel_loop3A_351 : i32 to index
          %parallel_loop3A_356 = tpu.vector_load %arg7[%parallel_loop3A_353, %parallel_loop3A_354, %parallel_loop3A_355] {strides = array<i32>} : memref<2x8x4096xf32, #tpu.memory_space<vmem>>, vector<16xf32>,
          tpu.vector_store %arg7[%parallel_loop3A_353, %parallel_loop3A_354, %parallel_loop3A_355], %parallel_loop3A_349 {strides = array<i32>} : memref<2x8x4096xf32, #tpu.memory_space<vmem>>, vector<16xf32>,
          %parallel_loop3A_357 = arith.constant 0 : i32
          %parallel_loop3A_358 = arith.constant 0 : i32
          %parallel_loop3A_359 = tpu.memref_slice %arg6[%select_n3A_217, %parallel_loop3A_357, %parallel_loop3A_358] : memref<2x8x1024xf32, #tpu.memory_space<vmem>> -> memref<1x8x1024xf32, #tpu.memory_space<vmem>>
          %parallel_loop3A_360 = tpu.memref_squeeze %parallel_loop3A_359 : memref<1x8x1024xf32, #tpu.memory_space<vmem>> -> memref<8x1024xf32, #tpu.memory_space<vmem>>
          %parallel_loop3A_361 = tpu.vector_load_idx %parallel_loop3A_360[%broadcast_in_dim3A_7, %parallel_loop3A_320] : memref<8x1024xf32, #tpu.memory_space<vmem>>[vector<16xi32>, vector<16xi32>], vector<16xf32>,
          %parallel_loop3A_362 = arith.constant 16 : i32
          %parallel_loop3A_363 = arith.muli %parallel_loop3A_315, %parallel_loop3A_362 : i32
          %parallel_loop3A_364 = arith.constant 3 : i32
          %parallel_loop3A_365 = arith.index_cast %select_n3A_217 : i32 to index
          %parallel_loop3A_366 = arith.index_cast %parallel_loop3A_364 : i32 to index
          %parallel_loop3A_367 = arith.index_cast %parallel_loop3A_363 : i32 to index
          %parallel_loop3A_368 = tpu.vector_load %arg7[%parallel_loop3A_365, %parallel_loop3A_366, %parallel_loop3A_367] {strides = array<i32>} : memref<2x8x4096xf32, #tpu.memory_space<vmem>>, vector<16xf32>,
          tpu.vector_store %arg7[%parallel_loop3A_365, %parallel_loop3A_366, %parallel_loop3A_367], %parallel_loop3A_361 {strides = array<i32>} : memref<2x8x4096xf32, #tpu.memory_space<vmem>>, vector<16xf32>,
          %parallel_loop3A_369 = arith.constant 0 : i32
          %parallel_loop3A_370 = arith.constant 0 : i32
          %parallel_loop3A_371 = tpu.memref_slice %arg6[%select_n3A_217, %parallel_loop3A_369, %parallel_loop3A_370] : memref<2x8x1024xf32, #tpu.memory_space<vmem>> -> memref<1x8x1024xf32, #tpu.memory_space<vmem>>
          %parallel_loop3A_372 = tpu.memref_squeeze %parallel_loop3A_371 : memref<1x8x1024xf32, #tpu.memory_space<vmem>> -> memref<8x1024xf32, #tpu.memory_space<vmem>>
          %parallel_loop3A_373 = tpu.vector_load_idx %parallel_loop3A_372[%broadcast_in_dim3A_9, %parallel_loop3A_320] : memref<8x1024xf32, #tpu.memory_space<vmem>>[vector<16xi32>, vector<16xi32>], vector<16xf32>,
          %parallel_loop3A_374 = arith.constant 16 : i32
          %parallel_loop3A_375 = arith.muli %parallel_loop3A_315, %parallel_loop3A_374 : i32
          %parallel_loop3A_376 = arith.constant 4 : i32
          %parallel_loop3A_377 = arith.index_cast %select_n3A_217 : i32 to index
          %parallel_loop3A_378 = arith.index_cast %parallel_loop3A_376 : i32 to index
          %parallel_loop3A_379 = arith.index_cast %parallel_loop3A_375 : i32 to index
          %parallel_loop3A_380 = tpu.vector_load %arg7[%parallel_loop3A_377, %parallel_loop3A_378, %parallel_loop3A_379] {strides = array<i32>} : memref<2x8x4096xf32, #tpu.memory_space<vmem>>, vector<16xf32>,
          tpu.vector_store %arg7[%parallel_loop3A_377, %parallel_loop3A_378, %parallel_loop3A_379], %parallel_loop3A_373 {strides = array<i32>} : memref<2x8x4096xf32, #tpu.memory_space<vmem>>, vector<16xf32>,
          %parallel_loop3A_381 = arith.constant 0 : i32
          %parallel_loop3A_382 = arith.constant 0 : i32
          %parallel_loop3A_383 = tpu.memref_slice %arg6[%select_n3A_217, %parallel_loop3A_381, %parallel_loop3A_382] : memref<2x8x1024xf32, #tpu.memory_space<vmem>> -> memref<1x8x1024xf32, #tpu.memory_space<vmem>>
          %parallel_loop3A_384 = tpu.memref_squeeze %parallel_loop3A_383 : memref<1x8x1024xf32, #tpu.memory_space<vmem>> -> memref<8x1024xf32, #tpu.memory_space<vmem>>
          %parallel_loop3A_385 = tpu.vector_load_idx %parallel_loop3A_384[%broadcast_in_dim3A_11, %parallel_loop3A_320] : memref<8x1024xf32, #tpu.memory_space<vmem>>[vector<16xi32>, vector<16xi32>], vector<16xf32>,
          %parallel_loop3A_386 = arith.constant 16 : i32
          %parallel_loop3A_387 = arith.muli %parallel_loop3A_315, %parallel_loop3A_386 : i32
          %parallel_loop3A_388 = arith.constant 5 : i32
          %parallel_loop3A_389 = arith.index_cast %select_n3A_217 : i32 to index
          %parallel_loop3A_390 = arith.index_cast %parallel_loop3A_388 : i32 to index
          %parallel_loop3A_391 = arith.index_cast %parallel_loop3A_387 : i32 to index
          %parallel_loop3A_392 = tpu.vector_load %arg7[%parallel_loop3A_389, %parallel_loop3A_390, %parallel_loop3A_391] {strides = array<i32>} : memref<2x8x4096xf32, #tpu.memory_space<vmem>>, vector<16xf32>,
          tpu.vector_store %arg7[%parallel_loop3A_389, %parallel_loop3A_390, %parallel_loop3A_391], %parallel_loop3A_385 {strides = array<i32>} : memref<2x8x4096xf32, #tpu.memory_space<vmem>>, vector<16xf32>,
          %parallel_loop3A_393 = arith.constant 0 : i32
          %parallel_loop3A_394 = arith.constant 0 : i32
          %parallel_loop3A_395 = tpu.memref_slice %arg6[%select_n3A_217, %parallel_loop3A_393, %parallel_loop3A_394] : memref<2x8x1024xf32, #tpu.memory_space<vmem>> -> memref<1x8x1024xf32, #tpu.memory_space<vmem>>
          %parallel_loop3A_396 = tpu.memref_squeeze %parallel_loop3A_395 : memref<1x8x1024xf32, #tpu.memory_space<vmem>> -> memref<8x1024xf32, #tpu.memory_space<vmem>>
          %parallel_loop3A_397 = tpu.vector_load_idx %parallel_loop3A_396[%broadcast_in_dim3A_13, %parallel_loop3A_320] : memref<8x1024xf32, #tpu.memory_space<vmem>>[vector<16xi32>, vector<16xi32>], vector<16xf32>,
          %parallel_loop3A_398 = arith.constant 16 : i32
          %parallel_loop3A_399 = arith.muli %parallel_loop3A_315, %parallel_loop3A_398 : i32
          %parallel_loop3A_400 = arith.constant 6 : i32
          %parallel_loop3A_401 = arith.index_cast %select_n3A_217 : i32 to index
          %parallel_loop3A_402 = arith.index_cast %parallel_loop3A_400 : i32 to index
          %parallel_loop3A_403 = arith.index_cast %parallel_loop3A_399 : i32 to index
          %parallel_loop3A_404 = tpu.vector_load %arg7[%parallel_loop3A_401, %parallel_loop3A_402, %parallel_loop3A_403] {strides = array<i32>} : memref<2x8x4096xf32, #tpu.memory_space<vmem>>, vector<16xf32>,
          tpu.vector_store %arg7[%parallel_loop3A_401, %parallel_loop3A_402, %parallel_loop3A_403], %parallel_loop3A_397 {strides = array<i32>} : memref<2x8x4096xf32, #tpu.memory_space<vmem>>, vector<16xf32>,
          %parallel_loop3A_405 = arith.constant 0 : i32
          %parallel_loop3A_406 = arith.constant 0 : i32
          %parallel_loop3A_407 = tpu.memref_slice %arg6[%select_n3A_217, %parallel_loop3A_405, %parallel_loop3A_406] : memref<2x8x1024xf32, #tpu.memory_space<vmem>> -> memref<1x8x1024xf32, #tpu.memory_space<vmem>>
          %parallel_loop3A_408 = tpu.memref_squeeze %parallel_loop3A_407 : memref<1x8x1024xf32, #tpu.memory_space<vmem>> -> memref<8x1024xf32, #tpu.memory_space<vmem>>
          %parallel_loop3A_409 = tpu.vector_load_idx %parallel_loop3A_408[%broadcast_in_dim3A_15, %parallel_loop3A_320] : memref<8x1024xf32, #tpu.memory_space<vmem>>[vector<16xi32>, vector<16xi32>], vector<16xf32>,
          %parallel_loop3A_410 = arith.constant 16 : i32
          %parallel_loop3A_411 = arith.muli %parallel_loop3A_315, %parallel_loop3A_410 : i32
          %parallel_loop3A_412 = arith.constant 7 : i32
          %parallel_loop3A_413 = arith.index_cast %select_n3A_217 : i32 to index
          %parallel_loop3A_414 = arith.index_cast %parallel_loop3A_412 : i32 to index
          %parallel_loop3A_415 = arith.index_cast %parallel_loop3A_411 : i32 to index
          %parallel_loop3A_416 = tpu.vector_load %arg7[%parallel_loop3A_413, %parallel_loop3A_414, %parallel_loop3A_415] {strides = array<i32>} : memref<2x8x4096xf32, #tpu.memory_space<vmem>>, vector<16xf32>,
          tpu.vector_store %arg7[%parallel_loop3A_413, %parallel_loop3A_414, %parallel_loop3A_415], %parallel_loop3A_409 {strides = array<i32>} : memref<2x8x4096xf32, #tpu.memory_space<vmem>>, vector<16xf32>,
        } {sc.loop_unroll_factor = 2 : i64, sc.parallel_access}
        %mul3A_298 = arith.constant 8 : i32
        %mul3A_299 = arith.muli %select_n3A_199, %mul3A_298 : i32
        %dma_start3A = arith.constant 0 : i32
        %dma_start3A_300 = arith.constant 0 : i32
        %dma_start3A_301 = tpu.memref_slice %arg7[%select_n3A_217, %dma_start3A, %dma_start3A_300] : memref<2x8x4096xf32, #tpu.memory_space<vmem>> -> memref<1x8x4096xf32, #tpu.memory_space<vmem>>
        %dma_start3A_302 = tpu.memref_squeeze %dma_start3A_301 : memref<1x8x4096xf32, #tpu.memory_space<vmem>> -> memref<8x4096xf32, #tpu.memory_space<vmem>>
        %dma_start3A_303 = arith.constant 0 : i32
        %dma_start3A_304 = tpu.memref_slice %arg4[%select_n3A_183, %mul3A_299, %dma_start3A_303] : memref<50x1001x4096xf32, #tpu.memory_space<hbm>> -> memref<1x8x4096xf32, #tpu.memory_space<hbm>>
        %dma_start3A_305 = tpu.memref_squeeze %dma_start3A_304 : memref<1x8x4096xf32, #tpu.memory_space<hbm>> -> memref<8x4096xf32, #tpu.memory_space<hbm>>
        %dma_start3A_306 = tpu.memref_slice %arg10[%select_n3A_217] : memref<2x!tpu.dma_semaphore, #tpu.memory_space<semaphore_mem>> -> memref<1x!tpu.dma_semaphore, #tpu.memory_space<semaphore_mem>>
        %dma_start3A_307 = tpu.memref_squeeze %dma_start3A_306 : memref<1x!tpu.dma_semaphore, #tpu.memory_space<semaphore_mem>> -> memref<!tpu.dma_semaphore, #tpu.memory_space<semaphore_mem>>
        %dma_start3A_308 = arith.constant 0 : i32
        %dma_start3A_309 = tpu.memref_slice %arg4[%select_n3A_183, %mul3A_299, %dma_start3A_308] : memref<50x1001x4096xf32, #tpu.memory_space<hbm>> -> memref<1x8x4096xf32, #tpu.memory_space<hbm>>
        %dma_start3A_310 = tpu.memref_squeeze %dma_start3A_309 : memref<1x8x4096xf32, #tpu.memory_space<hbm>> -> memref<8x4096xf32, #tpu.memory_space<hbm>>
        %dma_start3A_311 = arith.constant 0 : i32
        %dma_start3A_312 = arith.constant 0 : i32
        %dma_start3A_313 = tpu.memref_slice %arg7[%select_n3A_217, %dma_start3A_311, %dma_start3A_312] : memref<2x8x4096xf32, #tpu.memory_space<vmem>> -> memref<1x8x4096xf32, #tpu.memory_space<vmem>>
        %dma_start3A_314 = tpu.memref_squeeze %dma_start3A_313 : memref<1x8x4096xf32, #tpu.memory_space<vmem>> -> memref<8x4096xf32, #tpu.memory_space<vmem>>
        tpu.enqueue_dma source(%dma_start3A_314 : memref<8x4096xf32, #tpu.memory_space<vmem>>) target(%dma_start3A_310 : memref<8x4096xf32, #tpu.memory_space<hbm>>) target_semaphore(%dma_start3A_307 : memref<!tpu.dma_semaphore, #tpu.memory_space<semaphore_mem>>)
      } else {
      }
    }
    %scan3A_55 = arith.constant 196 : i32
    %add3A_56 = arith.constant 6208 : i32
    %add3A_57 = arith.addi %add3A, %add3A_56 : i32
    %jit3A_58 = arith.constant 125 : i32
    %div3A_59 = arith.divsi %add3A_57, %jit3A_58 : i32
    %sign3A_60 = arith.constant 0 : i32
    %sign3A_61 = arith.cmpi sgt, %add3A_57, %sign3A_60 : i32
    %sign3A_62 = arith.extui %sign3A_61 : i1 to i32
    %sign3A_63 = arith.constant 0 : i32
    %sign3A_64 = arith.cmpi slt, %add3A_57, %sign3A_63 : i32
    %sign3A_65 = arith.extui %sign3A_64 : i1 to i32
    %sign3A_66 = arith.subi %sign3A_62, %sign3A_65 : i32
    %sign3A_67 = arith.constant 0 : i32
    %sign3A_68 = arith.cmpi sgt, %jit3A_58, %sign3A_67 : i32
    %sign3A_69 = arith.extui %sign3A_68 : i1 to i32
    %sign3A_70 = arith.constant 0 : i32
    %sign3A_71 = arith.cmpi slt, %jit3A_58, %sign3A_70 : i32
    %sign3A_72 = arith.extui %sign3A_71 : i1 to i32
    %sign3A_73 = arith.subi %sign3A_69, %sign3A_72 : i32
    %ne3A_74 = arith.cmpi ne, %sign3A_66, %sign3A_73 : i32
    %rem3A_75 = arith.remsi %add3A_57, %jit3A_58 : i32
    %ne3A_76 = arith.constant 0 : i32
    %ne3A_77 = arith.cmpi ne, %rem3A_75, %ne3A_76 : i32
    %and3A_78 = arith.andi %ne3A_74, %ne3A_77 : i1
    %sub3A_79 = arith.constant 1 : i32
    %sub3A_80 = arith.subi %div3A_59, %sub3A_79 : i32
    %select_n3A_81 = arith.select %and3A_78, %sub3A_80, %div3A_59 : i32
    %jit3A_82 = arith.constant 125 : i32
    %eq3A_83 = arith.constant 0 : i32
    %eq3A_84 = arith.cmpi eq, %jit3A_82, %eq3A_83 : i32
    %jit3A_85 = arith.constant 1 : i32
    %select_n3A_86 = arith.select %eq3A_84, %jit3A_85, %jit3A_82 : i32
    %rem3A_87 = arith.remsi %add3A_57, %select_n3A_86 : i32
    %ne3A_88 = arith.constant 0 : i32
    %ne3A_89 = arith.cmpi ne, %rem3A_87, %ne3A_88 : i32
    %lt3A_90 = arith.constant 0 : i32
    %lt3A_91 = arith.cmpi slt, %rem3A_87, %lt3A_90 : i32
    %lt3A_92 = arith.constant 0 : i32
    %lt3A_93 = arith.cmpi slt, %select_n3A_86, %lt3A_92 : i32
    %ne3A_94 = arith.xori %lt3A_91, %lt3A_93 : i1
    %and3A_95 = arith.andi %ne3A_94, %ne3A_89 : i1
    %add3A_96 = arith.addi %rem3A_87, %select_n3A_86 : i32
    %select_n3A_97 = arith.select %and3A_95, %add3A_96, %rem3A_87 : i32
    %lt3A_98 = arith.constant 6250 : i32
    %lt3A_99 = arith.cmpi slt, %add3A_57, %lt3A_98 : i32
    %convert_element_type3A_100 = arith.extui %lt3A_99 : i1 to i32
    %cond3A_101 = arith.constant 0 : i32
    %cond3A_102 = arith.cmpi ne, %convert_element_type3A_100, %cond3A_101 : i32
    scf.if %cond3A_102 {
      %dma_wait3A = arith.constant 0 : i32
      %dma_wait3A_156 = arith.constant 0 : i32
      %dma_wait3A_157 = arith.constant 0 : i32
      %dma_wait3A_158 = arith.constant 0 : i32
      %dma_wait3A_159 = arith.constant 0 : i32
      %dma_wait3A_160 = tpu.memref_slice %arg7[%dma_wait3A, %dma_wait3A_158, %dma_wait3A_159] : memref<2x8x4096xf32, #tpu.memory_space<vmem>> -> memref<1x8x4096xf32, #tpu.memory_space<vmem>>
      %dma_wait3A_161 = tpu.memref_squeeze %dma_wait3A_160 : memref<1x8x4096xf32, #tpu.memory_space<vmem>> -> memref<8x4096xf32, #tpu.memory_space<vmem>>
      %dma_wait3A_162 = arith.constant 0 : i32
      %dma_wait3A_163 = arith.constant 0 : i32
      %dma_wait3A_164 = tpu.memref_slice %arg4[%dma_wait3A_156, %dma_wait3A_162, %dma_wait3A_163] : memref<50x1001x4096xf32, #tpu.memory_space<hbm>> -> memref<1x8x4096xf32, #tpu.memory_space<hbm>>
      %dma_wait3A_165 = tpu.memref_squeeze %dma_wait3A_164 : memref<1x8x4096xf32, #tpu.memory_space<hbm>> -> memref<8x4096xf32, #tpu.memory_space<hbm>>
      %dma_wait3A_166 = tpu.memref_slice %arg10[%dma_wait3A_157] : memref<2x!tpu.dma_semaphore, #tpu.memory_space<semaphore_mem>> -> memref<1x!tpu.dma_semaphore, #tpu.memory_space<semaphore_mem>>
      %dma_wait3A_167 = tpu.memref_squeeze %dma_wait3A_166 : memref<1x!tpu.dma_semaphore, #tpu.memory_space<semaphore_mem>> -> memref<!tpu.dma_semaphore, #tpu.memory_space<semaphore_mem>>
      %dma_wait3A_168 = arith.constant 0 : i32
      %dma_wait3A_169 = arith.constant 0 : i32
      %dma_wait3A_170 = tpu.memref_slice %arg4[%dma_wait3A_156, %dma_wait3A_168, %dma_wait3A_169] : memref<50x1001x4096xf32, #tpu.memory_space<hbm>> -> memref<1x8x4096xf32, #tpu.memory_space<hbm>>
      %dma_wait3A_171 = tpu.memref_squeeze %dma_wait3A_170 : memref<1x8x4096xf32, #tpu.memory_space<hbm>> -> memref<8x4096xf32, #tpu.memory_space<hbm>>
      %dma_wait3A_172 = arith.constant 0 : i32
      %dma_wait3A_173 = arith.constant 0 : i32
      %dma_wait3A_174 = tpu.memref_slice %arg7[%dma_wait3A, %dma_wait3A_172, %dma_wait3A_173] : memref<2x8x4096xf32, #tpu.memory_space<vmem>> -> memref<1x8x4096xf32, #tpu.memory_space<vmem>>
      %dma_wait3A_175 = tpu.memref_squeeze %dma_wait3A_174 : memref<1x8x4096xf32, #tpu.memory_space<vmem>> -> memref<8x4096xf32, #tpu.memory_space<vmem>>
      tpu.wait_dma2 semaphore(%dma_wait3A_167 : memref<!tpu.dma_semaphore, #tpu.memory_space<semaphore_mem>>) src(%dma_wait3A_175 : memref<8x4096xf32, #tpu.memory_space<vmem>>) dst(%dma_wait3A_171 : memref<8x4096xf32, #tpu.memory_space<hbm>>)
    } else {
    }
    %add3A_103 = arith.constant 6240 : i32
    %add3A_104 = arith.addi %add3A, %add3A_103 : i32
    %jit3A_105 = arith.constant 125 : i32
    %div3A_106 = arith.divsi %add3A_104, %jit3A_105 : i32
    %sign3A_107 = arith.constant 0 : i32
    %sign3A_108 = arith.cmpi sgt, %add3A_104, %sign3A_107 : i32
    %sign3A_109 = arith.extui %sign3A_108 : i1 to i32
    %sign3A_110 = arith.constant 0 : i32
    %sign3A_111 = arith.cmpi slt, %add3A_104, %sign3A_110 : i32
    %sign3A_112 = arith.extui %sign3A_111 : i1 to i32
    %sign3A_113 = arith.subi %sign3A_109, %sign3A_112 : i32
    %sign3A_114 = arith.constant 0 : i32
    %sign3A_115 = arith.cmpi sgt, %jit3A_105, %sign3A_114 : i32
    %sign3A_116 = arith.extui %sign3A_115 : i1 to i32
    %sign3A_117 = arith.constant 0 : i32
    %sign3A_118 = arith.cmpi slt, %jit3A_105, %sign3A_117 : i32
    %sign3A_119 = arith.extui %sign3A_118 : i1 to i32
    %sign3A_120 = arith.subi %sign3A_116, %sign3A_119 : i32
    %ne3A_121 = arith.cmpi ne, %sign3A_113, %sign3A_120 : i32
    %rem3A_122 = arith.remsi %add3A_104, %jit3A_105 : i32
    %ne3A_123 = arith.constant 0 : i32
    %ne3A_124 = arith.cmpi ne, %rem3A_122, %ne3A_123 : i32
    %and3A_125 = arith.andi %ne3A_121, %ne3A_124 : i1
    %sub3A_126 = arith.constant 1 : i32
    %sub3A_127 = arith.subi %div3A_106, %sub3A_126 : i32
    %select_n3A_128 = arith.select %and3A_125, %sub3A_127, %div3A_106 : i32
    %jit3A_129 = arith.constant 125 : i32
    %eq3A_130 = arith.constant 0 : i32
    %eq3A_131 = arith.cmpi eq, %jit3A_129, %eq3A_130 : i32
    %jit3A_132 = arith.constant 1 : i32
    %select_n3A_133 = arith.select %eq3A_131, %jit3A_132, %jit3A_129 : i32
    %rem3A_134 = arith.remsi %add3A_104, %select_n3A_133 : i32
    %ne3A_135 = arith.constant 0 : i32
    %ne3A_136 = arith.cmpi ne, %rem3A_134, %ne3A_135 : i32
    %lt3A_137 = arith.constant 0 : i32
    %lt3A_138 = arith.cmpi slt, %rem3A_134, %lt3A_137 : i32
    %lt3A_139 = arith.constant 0 : i32
    %lt3A_140 = arith.cmpi slt, %select_n3A_133, %lt3A_139 : i32
    %ne3A_141 = arith.xori %lt3A_138, %lt3A_140 : i1
    %and3A_142 = arith.andi %ne3A_141, %ne3A_136 : i1
    %add3A_143 = arith.addi %rem3A_134, %select_n3A_133 : i32
    %select_n3A_144 = arith.select %and3A_142, %add3A_143, %rem3A_134 : i32
    %lt3A_145 = arith.constant 6250 : i32
    %lt3A_146 = arith.cmpi slt, %add3A_104, %lt3A_145 : i32
    %convert_element_type3A_147 = arith.extui %lt3A_146 : i1 to i32
    %cond3A_148 = arith.constant 0 : i32
    %cond3A_149 = arith.cmpi ne, %convert_element_type3A_147, %cond3A_148 : i32
    scf.if %cond3A_149 {
      %dma_wait3A = arith.constant 1 : i32
      %dma_wait3A_156 = arith.constant 0 : i32
      %dma_wait3A_157 = arith.constant 1 : i32
      %dma_wait3A_158 = arith.constant 0 : i32
      %dma_wait3A_159 = arith.constant 0 : i32
      %dma_wait3A_160 = tpu.memref_slice %arg7[%dma_wait3A, %dma_wait3A_158, %dma_wait3A_159] : memref<2x8x4096xf32, #tpu.memory_space<vmem>> -> memref<1x8x4096xf32, #tpu.memory_space<vmem>>
      %dma_wait3A_161 = tpu.memref_squeeze %dma_wait3A_160 : memref<1x8x4096xf32, #tpu.memory_space<vmem>> -> memref<8x4096xf32, #tpu.memory_space<vmem>>
      %dma_wait3A_162 = arith.constant 0 : i32
      %dma_wait3A_163 = arith.constant 0 : i32
      %dma_wait3A_164 = tpu.memref_slice %arg4[%dma_wait3A_156, %dma_wait3A_162, %dma_wait3A_163] : memref<50x1001x4096xf32, #tpu.memory_space<hbm>> -> memref<1x8x4096xf32, #tpu.memory_space<hbm>>
      %dma_wait3A_165 = tpu.memref_squeeze %dma_wait3A_164 : memref<1x8x4096xf32, #tpu.memory_space<hbm>> -> memref<8x4096xf32, #tpu.memory_space<hbm>>
      %dma_wait3A_166 = tpu.memref_slice %arg10[%dma_wait3A_157] : memref<2x!tpu.dma_semaphore, #tpu.memory_space<semaphore_mem>> -> memref<1x!tpu.dma_semaphore, #tpu.memory_space<semaphore_mem>>
      %dma_wait3A_167 = tpu.memref_squeeze %dma_wait3A_166 : memref<1x!tpu.dma_semaphore, #tpu.memory_space<semaphore_mem>> -> memref<!tpu.dma_semaphore, #tpu.memory_space<semaphore_mem>>
      %dma_wait3A_168 = arith.constant 0 : i32
      %dma_wait3A_169 = arith.constant 0 : i32
      %dma_wait3A_170 = tpu.memref_slice %arg4[%dma_wait3A_156, %dma_wait3A_168, %dma_wait3A_169] : memref<50x1001x4096xf32, #tpu.memory_space<hbm>> -> memref<1x8x4096xf32, #tpu.memory_space<hbm>>
      %dma_wait3A_171 = tpu.memref_squeeze %dma_wait3A_170 : memref<1x8x4096xf32, #tpu.memory_space<hbm>> -> memref<8x4096xf32, #tpu.memory_space<hbm>>
      %dma_wait3A_172 = arith.constant 0 : i32
      %dma_wait3A_173 = arith.constant 0 : i32
      %dma_wait3A_174 = tpu.memref_slice %arg7[%dma_wait3A, %dma_wait3A_172, %dma_wait3A_173] : memref<2x8x4096xf32, #tpu.memory_space<vmem>> -> memref<1x8x4096xf32, #tpu.memory_space<vmem>>
      %dma_wait3A_175 = tpu.memref_squeeze %dma_wait3A_174 : memref<1x8x4096xf32, #tpu.memory_space<vmem>> -> memref<8x4096xf32, #tpu.memory_space<vmem>>
      tpu.wait_dma2 semaphore(%dma_wait3A_167 : memref<!tpu.dma_semaphore, #tpu.memory_space<semaphore_mem>>) src(%dma_wait3A_175 : memref<8x4096xf32, #tpu.memory_space<vmem>>) dst(%dma_wait3A_171 : memref<8x4096xf32, #tpu.memory_space<hbm>>)
    } else {
    }
    %scan3A_150 = arith.constant 0 : i32
    %scan3A_151 = arith.constant 0 : i32
    %scan3A_152 = arith.constant 2 : i32
    %scan3A_153 = arith.addi %scan3A_151, %scan3A_152 : i32
    %scan3A_154 = arith.constant 1 : i32
    scf.for %scan3A_156 = %scan3A_151 to %scan3A_153 step %scan3A_154  : i32 {
      %mul3A_157 = arith.constant 32 : i32
      %mul3A_158 = arith.muli %mul3A_157, %scan3A_156 : i32
      %add3A_159 = arith.addi %add3A, %mul3A_158 : i32
      %lt3A_160 = arith.constant 50 : i32
      %lt3A_161 = arith.cmpi slt, %add3A_159, %lt3A_160 : i32
      %convert_element_type3A_162 = arith.extui %lt3A_161 : i1 to i32
      %cond3A_163 = arith.constant 0 : i32
      %cond3A_164 = arith.cmpi ne, %convert_element_type3A_162, %cond3A_163 : i32
      scf.if %cond3A_164 {
        %mul3A_165 = arith.constant 4096 : i32
        %mul3A_166 = arith.muli %add3A_159, %mul3A_165 : i32
        "tpu.region"() ({
          %run_scoped3A_169 = tpu.sem_alloc : memref<!tpu.dma_semaphore, #tpu.memory_space<semaphore_mem>>
          %dma_start3A = arith.constant 0 : i32
          %dma_start3A_170 = tpu.memref_slice %arg5[%dma_start3A] : memref<8192xi32, #tpu.memory_space<vmem>> -> memref<4096xi32, #tpu.memory_space<vmem>>
          %dma_start3A_171 = tpu.memref_slice %arg3[%mul3A_166] : memref<204800xi32, #tpu.memory_space<hbm>> -> memref<4096xi32, #tpu.memory_space<hbm>>
          %dma_start3A_172 = arith.constant 0 : i32
          %dma_start3A_173 = tpu.memref_slice %arg5[%dma_start3A_172] : memref<8192xi32, #tpu.memory_space<vmem>> -> memref<4096xi32, #tpu.memory_space<vmem>>
          %dma_start3A_174 = tpu.memref_slice %arg3[%mul3A_166] : memref<204800xi32, #tpu.memory_space<hbm>> -> memref<4096xi32, #tpu.memory_space<hbm>>
          tpu.enqueue_dma source(%dma_start3A_174 : memref<4096xi32, #tpu.memory_space<hbm>>) target(%dma_start3A_173 : memref<4096xi32, #tpu.memory_space<vmem>>) target_semaphore(%run_scoped3A_169 : memref<!tpu.dma_semaphore, #tpu.memory_space<semaphore_mem>>)
          %dma_wait3A = arith.constant 0 : i32
          %dma_wait3A_175 = tpu.memref_slice %arg5[%dma_wait3A] : memref<8192xi32, #tpu.memory_space<vmem>> -> memref<4096xi32, #tpu.memory_space<vmem>>
          %dma_wait3A_176 = tpu.memref_slice %arg3[%mul3A_166] : memref<204800xi32, #tpu.memory_space<hbm>> -> memref<4096xi32, #tpu.memory_space<hbm>>
          %dma_wait3A_177 = arith.constant 0 : i32
          %dma_wait3A_178 = tpu.memref_slice %arg5[%dma_wait3A_177] : memref<8192xi32, #tpu.memory_space<vmem>> -> memref<4096xi32, #tpu.memory_space<vmem>>
          %dma_wait3A_179 = tpu.memref_slice %arg3[%mul3A_166] : memref<204800xi32, #tpu.memory_space<hbm>> -> memref<4096xi32, #tpu.memory_space<hbm>>
          tpu.wait_dma2 semaphore(%run_scoped3A_169 : memref<!tpu.dma_semaphore, #tpu.memory_space<semaphore_mem>>) src(%dma_wait3A_179 : memref<4096xi32, #tpu.memory_space<hbm>>) dst(%dma_wait3A_178 : memref<4096xi32, #tpu.memory_space<vmem>>)
          tpu.yield
        }) : () -> ()
        %run_scoped3A = arith.constant 0 : i32
        "tpu.region"() ({
          %run_scoped3A_169 = tpu.sem_alloc : memref<!tpu.dma_semaphore, #tpu.memory_space<semaphore_mem>>
          %dma_start3A = arith.constant 0 : i32
          %dma_start3A_170 = arith.constant 0 : i32
          %dma_start3A_171 = tpu.memref_slice %arg6[%run_scoped3A, %dma_start3A, %dma_start3A_170] : memref<2x8x1024xf32, #tpu.memory_space<vmem>> -> memref<1x8x1024xf32, #tpu.memory_space<vmem>>
          %dma_start3A_172 = tpu.memref_squeeze %dma_start3A_171 : memref<1x8x1024xf32, #tpu.memory_space<vmem>> -> memref<8x1024xf32, #tpu.memory_space<vmem>>
          %dma_start3A_173 = arith.constant 1000 : i32
          %dma_start3A_174 = arith.constant 0 : i32
          %dma_start3A_175 = tpu.memref_slice %arg2[%dma_start3A_173, %dma_start3A_174] : memref<1008x1024xf32, #tpu.memory_space<hbm>> -> memref<8x1024xf32, #tpu.memory_space<hbm>>
          %dma_start3A_176 = arith.constant 0 : i32
          %dma_start3A_177 = arith.constant 0 : i32
          %dma_start3A_178 = tpu.memref_slice %arg6[%run_scoped3A, %dma_start3A_176, %dma_start3A_177] : memref<2x8x1024xf32, #tpu.memory_space<vmem>> -> memref<1x8x1024xf32, #tpu.memory_space<vmem>>
          %dma_start3A_179 = tpu.memref_squeeze %dma_start3A_178 : memref<1x8x1024xf32, #tpu.memory_space<vmem>> -> memref<8x1024xf32, #tpu.memory_space<vmem>>
          %dma_start3A_180 = arith.constant 1000 : i32
          %dma_start3A_181 = arith.constant 0 : i32
          %dma_start3A_182 = tpu.memref_slice %arg2[%dma_start3A_180, %dma_start3A_181] : memref<1008x1024xf32, #tpu.memory_space<hbm>> -> memref<8x1024xf32, #tpu.memory_space<hbm>>
          tpu.enqueue_dma source(%dma_start3A_182 : memref<8x1024xf32, #tpu.memory_space<hbm>>) target(%dma_start3A_179 : memref<8x1024xf32, #tpu.memory_space<vmem>>) target_semaphore(%run_scoped3A_169 : memref<!tpu.dma_semaphore, #tpu.memory_space<semaphore_mem>>)
          %dma_wait3A = arith.constant 0 : i32
          %dma_wait3A_183 = arith.constant 0 : i32
          %dma_wait3A_184 = tpu.memref_slice %arg6[%run_scoped3A, %dma_wait3A, %dma_wait3A_183] : memref<2x8x1024xf32, #tpu.memory_space<vmem>> -> memref<1x8x1024xf32, #tpu.memory_space<vmem>>
          %dma_wait3A_185 = tpu.memref_squeeze %dma_wait3A_184 : memref<1x8x1024xf32, #tpu.memory_space<vmem>> -> memref<8x1024xf32, #tpu.memory_space<vmem>>
          %dma_wait3A_186 = arith.constant 1000 : i32
          %dma_wait3A_187 = arith.constant 0 : i32
          %dma_wait3A_188 = tpu.memref_slice %arg2[%dma_wait3A_186, %dma_wait3A_187] : memref<1008x1024xf32, #tpu.memory_space<hbm>> -> memref<8x1024xf32, #tpu.memory_space<hbm>>
          %dma_wait3A_189 = arith.constant 0 : i32
          %dma_wait3A_190 = arith.constant 0 : i32
          %dma_wait3A_191 = tpu.memref_slice %arg6[%run_scoped3A, %dma_wait3A_189, %dma_wait3A_190] : memref<2x8x1024xf32, #tpu.memory_space<vmem>> -> memref<1x8x1024xf32, #tpu.memory_space<vmem>>
          %dma_wait3A_192 = tpu.memref_squeeze %dma_wait3A_191 : memref<1x8x1024xf32, #tpu.memory_space<vmem>> -> memref<8x1024xf32, #tpu.memory_space<vmem>>
          %dma_wait3A_193 = arith.constant 1000 : i32
          %dma_wait3A_194 = arith.constant 0 : i32
          %dma_wait3A_195 = tpu.memref_slice %arg2[%dma_wait3A_193, %dma_wait3A_194] : memref<1008x1024xf32, #tpu.memory_space<hbm>> -> memref<8x1024xf32, #tpu.memory_space<hbm>>
          tpu.wait_dma2 semaphore(%run_scoped3A_169 : memref<!tpu.dma_semaphore, #tpu.memory_space<semaphore_mem>>) src(%dma_wait3A_195 : memref<8x1024xf32, #tpu.memory_space<hbm>>) dst(%dma_wait3A_192 : memref<8x1024xf32, #tpu.memory_space<vmem>>)
          tpu.yield
        }) : () -> ()
        %parallel_loop3A = arith.constant 0 : i32
        %parallel_loop3A_167 = arith.constant 256 : i32
        %parallel_loop3A_168 = arith.constant 1 : i32
        scf.for %parallel_loop3A_169 = %parallel_loop3A to %parallel_loop3A_167 step %parallel_loop3A_168  : i32 {
          %parallel_loop3A_170 = arith.constant 16 : i32
          %parallel_loop3A_171 = arith.muli %parallel_loop3A_169, %parallel_loop3A_170 : i32
          %parallel_loop3A_172 = arith.index_cast %parallel_loop3A_171 : i32 to index
          %parallel_loop3A_173 = tpu.vector_load %arg5[%parallel_loop3A_172] {strides = array<i32>} : memref<8192xi32, #tpu.memory_space<vmem>>, vector<16xi32>,
          %parallel_loop3A_174 = arith.constant 0 : i32
          %parallel_loop3A_175 = arith.constant 0 : i32
          %parallel_loop3A_176 = arith.constant 0 : i32
          %parallel_loop3A_177 = tpu.memref_slice %arg6[%parallel_loop3A_174, %parallel_loop3A_175, %parallel_loop3A_176] : memref<2x8x1024xf32, #tpu.memory_space<vmem>> -> memref<1x8x1024xf32, #tpu.memory_space<vmem>>
          %parallel_loop3A_178 = tpu.memref_squeeze %parallel_loop3A_177 : memref<1x8x1024xf32, #tpu.memory_space<vmem>> -> memref<8x1024xf32, #tpu.memory_space<vmem>>
          %parallel_loop3A_179 = tpu.vector_load_idx %parallel_loop3A_178[%broadcast_in_dim3A_1, %parallel_loop3A_173] : memref<8x1024xf32, #tpu.memory_space<vmem>>[vector<16xi32>, vector<16xi32>], vector<16xf32>,
          %parallel_loop3A_180 = arith.constant 16 : i32
          %parallel_loop3A_181 = arith.muli %parallel_loop3A_169, %parallel_loop3A_180 : i32
          %parallel_loop3A_182 = arith.constant 0 : i32
          %parallel_loop3A_183 = arith.index_cast %parallel_loop3A_182 : i32 to index
          %parallel_loop3A_184 = arith.index_cast %parallel_loop3A_181 : i32 to index
          %parallel_loop3A_185 = tpu.vector_load %arg8[%parallel_loop3A_183, %parallel_loop3A_184] {strides = array<i32>} : memref<1x4096xf32, #tpu.memory_space<vmem>>, vector<16xf32>,
          tpu.vector_store %arg8[%parallel_loop3A_183, %parallel_loop3A_184], %parallel_loop3A_179 {strides = array<i32>} : memref<1x4096xf32, #tpu.memory_space<vmem>>, vector<16xf32>,
        } {sc.loop_unroll_factor = 2 : i64, sc.parallel_access}
        "tpu.region"() ({
          %run_scoped3A_169 = tpu.sem_alloc : memref<!tpu.dma_semaphore, #tpu.memory_space<semaphore_mem>>
          %dma_start3A = arith.constant 1000 : i32
          %dma_start3A_170 = arith.constant 0 : i32
          %dma_start3A_171 = tpu.memref_slice %arg4[%add3A_159, %dma_start3A, %dma_start3A_170] : memref<50x1001x4096xf32, #tpu.memory_space<hbm>> -> memref<1x1x4096xf32, #tpu.memory_space<hbm>>
          %dma_start3A_172 = tpu.memref_squeeze %dma_start3A_171 : memref<1x1x4096xf32, #tpu.memory_space<hbm>> -> memref<1x4096xf32, #tpu.memory_space<hbm>>
          %dma_start3A_173 = arith.constant 1000 : i32
          %dma_start3A_174 = arith.constant 0 : i32
          %dma_start3A_175 = tpu.memref_slice %arg4[%add3A_159, %dma_start3A_173, %dma_start3A_174] : memref<50x1001x4096xf32, #tpu.memory_space<hbm>> -> memref<1x1x4096xf32, #tpu.memory_space<hbm>>
          %dma_start3A_176 = tpu.memref_squeeze %dma_start3A_175 : memref<1x1x4096xf32, #tpu.memory_space<hbm>> -> memref<1x4096xf32, #tpu.memory_space<hbm>>
          tpu.enqueue_dma source(%arg8 : memref<1x4096xf32, #tpu.memory_space<vmem>>) target(%dma_start3A_176 : memref<1x4096xf32, #tpu.memory_space<hbm>>) target_semaphore(%run_scoped3A_169 : memref<!tpu.dma_semaphore, #tpu.memory_space<semaphore_mem>>)
          %dma_wait3A = arith.constant 1000 : i32
          %dma_wait3A_177 = arith.constant 0 : i32
          %dma_wait3A_178 = tpu.memref_slice %arg4[%add3A_159, %dma_wait3A, %dma_wait3A_177] : memref<50x1001x4096xf32, #tpu.memory_space<hbm>> -> memref<1x1x4096xf32, #tpu.memory_space<hbm>>
          %dma_wait3A_179 = tpu.memref_squeeze %dma_wait3A_178 : memref<1x1x4096xf32, #tpu.memory_space<hbm>> -> memref<1x4096xf32, #tpu.memory_space<hbm>>
          %dma_wait3A_180 = arith.constant 1000 : i32
          %dma_wait3A_181 = arith.constant 0 : i32
          %dma_wait3A_182 = tpu.memref_slice %arg4[%add3A_159, %dma_wait3A_180, %dma_wait3A_181] : memref<50x1001x4096xf32, #tpu.memory_space<hbm>> -> memref<1x1x4096xf32, #tpu.memory_space<hbm>>
          %dma_wait3A_183 = tpu.memref_squeeze %dma_wait3A_182 : memref<1x1x4096xf32, #tpu.memory_space<hbm>> -> memref<1x4096xf32, #tpu.memory_space<hbm>>
          tpu.wait_dma2 semaphore(%run_scoped3A_169 : memref<!tpu.dma_semaphore, #tpu.memory_space<semaphore_mem>>) src(%arg8 : memref<1x4096xf32, #tpu.memory_space<vmem>>) dst(%dma_wait3A_183 : memref<1x4096xf32, #tpu.memory_space<hbm>>)
          tpu.yield
        }) : () -> ()
      } else {
      }
    }
    %scan3A_155 = arith.constant 2 : i32
    return
  }
}

module attributes {stable_mosaic.version = 14 : i64} {
  func.func @_exp_body(%arg0: memref<1008x1024xf32, #tpu.memory_space<vmem>>, %arg1: memref<1008x1024xf32, #tpu.memory_space<vmem>>) attributes {dimension_semantics = [], scalar_prefetch = 0 : i64, scratch_operands = 0 : i64, tpu.core_type = #tpu.core_type<tc>} {
    %get3A = arith.constant 0 : index
    %get3A_0 = arith.constant 0 : index
    %get3A_1 = vector.load %arg0[%get3A, %get3A_0] : memref<1008x1024xf32, #tpu.memory_space<vmem>>, vector<1008x1024xf32>
    %exp3A = math.exp %get3A_1 : vector<1008x1024xf32>
    %swap3A = arith.constant 0 : index
    %swap3A_2 = arith.constant 0 : index
    %swap3A_3 = vector.load %arg1[%swap3A, %swap3A_2] : memref<1008x1024xf32, #tpu.memory_space<vmem>>, vector<1008x1024xf32>
    tpu.vector_store %arg1[%swap3A, %swap3A_2], %exp3A {strides = array<i32>} : memref<1008x1024xf32, #tpu.memory_space<vmem>>, vector<1008x1024xf32>,
    return
  }
}

</mosaic_0001>

<sc_bundles>
// kernel: kernel.4.cloned.1.call-start
scs
__scs_entry_jumppad:
0x0: {  	(pc) =	sbr.rel $0x88, $3  }
0x1: {  	(tag) =	ssettag $0x0;
	lr =	simm.s32 $0x1  }
0x2: {  	[smem:$0x3F9F] =	sst lr;
	_ =	strace $0xD0000000  }
0x3: {  	_ = 	snop  }
0x4: {  	_ = 	snop  }
0x5: {  	_ = 	snop  }
0x6: {  	_ = 	snop  }
0x7: {  	_ = 	snop  }
__scs_overlays_trampoline_lowered:
0x8: {  	[smem:$0x3FAE] =	sst s0  }
0x9: {  	[smem:$0x3FAF] =	sst s1  }
0xa: {  	[smem:$0x3FB0] =	sst s2  }
0xb: {  	[smem:$0x3FB1] =	sst s3  }
0xc: {  	[smem:$0x3FB2] =	sst s4  }
0xd: {  	[smem:$0x3FB3] =	sst s5  }
0xe: {  	[smem:$0x3FB4] =	sst s6  }
0xf: {  	[smem:$0x3FB5] =	sst s7  }
0x10: {  	[smem:$0x3FB6] =	sst s8  }
0x11: {  	[smem:$0x3FB7] =	sst s9;
	s0 =	simm.s32 @!p0 $0x0  }
0x12: {  	s1 =	sld [smem:$0x3F9D];
	s0 =	simm.s32 @p0 $0x1  }
0x13: {  	[smem:$0x3FB8] =	sst s0;
	s0 =	simm.s32 @!p1 $0x0  }
0x14: {  	s2 =	sld [smem:$0x3F9C];
	s0 =	simm.s32 @p1 $0x1  }
0x15: {  	[smem:$0x3FB9] =	sst s0;
	s0 =	simm.s32 @!p2 $0x0  }
0x16: {  	s3 =	sld [smem:$0x3FDB];
	s0 =	simm.s32 @p2 $0x1  }
0x17: {  	s4 =	simm.s32 $0x1BF5;
	[smem:$0x3FBB] =	sst s0  }
0x18: {  	s0 =	sld [smem:$0x3F9E];
	_ =	swait.ge [sflag:s4], $0x0  }
0x19: {  	s7 =	sld [smem:$0x3F9F]  }
0x1a: {  	s8 =	sadd.s32 $0xFFFFE003, lr  }
0x1b: {  	s9 =	sadd.s32 $0xFFFFFEF7, lr;
	s5 =	simm.s32 $0xFFFFFFFF;
	p2 =	slt.u32 s8, $0xFFFFF086  }
0x1c: {  	p1 =	slt.u32 s9, $0xF7A;
	s5 =	simm.s32 @!p2 $0x0  }
0x1d: {  	s5 =	simm.s32 @p1 $0x1;
	p0 =	seq.s32 s7, s2  }
0x1e: {  	s7 =	smul.u32 @!p0 $0xF7A, s2;
	p2 =	seq.s32 @!p0 s5, $0x0  }
0x1f: {  	s9 =	smul.u32 $0xF7A, s1;
	s8 =	simm.s32 @!p0 $0x1BF5;
	p2 =	por !p2, p0  }
0x20: {  	[sflag:s8] =	ssyncset.s32 @!p0 $0xFFFFF086;
	s6 =	sadd.s32 @!p0 s3, s7;
	s7 =	simm.s32 @!p0 $0x108  }
0x21: {  	s3 =	sadd.s32 s3, s9;
	s6 =	sadd.s32 @!p0 $0x88, s6;
	s7 =	simm.s32 @p2 $0x1082  }
0x22: {  	[simem:s7], [sflag:s8] =	dma.local @!p0 [hbm:s6], $0xF7A  }
0x23: {  	s9 =	sor.u32 $0xD0000000, s2;
	s6 =	simm.s32 $0x108;
	_ =	swait.ge @!p0 [sflag:s8], $0x0  }
0x24: {  	s3 =	sadd.s32 $0x88, s3;
	s6 =	simm.s32 @!p1 $0x1082;
	[sflag:s4] =	ssyncset.s32 $0xFFFFF086  }
0x25: {  	[simem:s6], [sflag:s4] =	dma.local [hbm:s3], $0xF7A  }
0x26: {  	[smem:$0x3F9F] =	sst s1;
	(tag) =	ssettag s2;
	_ =	strace s9  }
0x27: {  	s1 =	sld [smem:$0x3FAF]  }
0x28: {  	s2 =	sld [smem:$0x3FB0]  }
0x29: {  	s4 =	sld [smem:$0x3FB2]  }
0x2a: {  	p0 =	seq.s32 s5, $0x0;
	s5 =	sld [smem:$0x3FB3]  }
0x2b: {  	s6 =	sld [smem:$0x3FB4]  }
0x2c: {  	s7 =	sld [smem:$0x3FB5]  }
0x2d: {  	s3 =	simm.s32 $0x108;
	s8 =	sld [smem:$0x3FB6]  }
0x2e: {  	s3 =	simm.s32 @!p0 $0x1082;
	s9 =	sld [smem:$0x3FB7]  }
0x2f: {  	lr =	sadd.s32 s0, s3;
	s0 =	sld [smem:$0x3FAE]  }
0x30: {  	s3 =	sld [smem:$0x3FB1]  }
0x31: {  	[smem:$0x3FBA] =	sst s10  }
0x32: {  	s10 =	sld [smem:$0x3FB8];
	_ =	sdelay $0x3  }
0x33: {  	p0 =	seq.s32 s10, $0x1;
	s10 =	sld [smem:$0x3FBA];
	_ =	sdelay $0x3  }
0x34: {  	[smem:$0x3FBA] =	sst s10  }
0x35: {  	s10 =	sld [smem:$0x3FB9];
	_ =	sdelay $0x3  }
0x36: {  	p1 =	seq.s32 s10, $0x1;
	s10 =	sld [smem:$0x3FBA];
	_ =	sdelay $0x3  }
0x37: {  	[smem:$0x3FBA] =	sst s10  }
0x38: {  	s10 =	sld [smem:$0x3FBB]  }
0x39: {  	_ = 	snop;
	(pc) =	sbr.ind lr, $3  }
0x3a: {  	_ = 	snop  }
0x3b: {  	_ = 	snop  }
0x3c: {  	p2 =	seq.s32 s10, $0x1;
	s10 =	sld [smem:$0x3FBA]  }
0x3d: {  	_ =	shalt  }
0x3e: {  	_ =	shalt  }
0x3f: {  	_ =	shalt  }
0x40: {  	_ =	shalt  }
0x41: {  	_ =	shalt  }
0x42: {  	_ =	shalt  }
0x43: {  	_ =	shalt  }
0x44: {  	_ =	shalt  }
0x45: {  	_ =	shalt  }
0x46: {  	_ =	shalt  }
0x47: {  	_ =	shalt  }
0x48: {  	_ =	shalt  }
0x49: {  	_ =	shalt  }
0x4a: {  	_ =	shalt  }
0x4b: {  	_ =	shalt  }
0x4c: {  	_ =	shalt  }
0x4d: {  	_ =	shalt  }
0x4e: {  	_ =	shalt  }
0x4f: {  	_ =	shalt  }
0x50: {  	_ =	shalt  }
0x51: {  	_ =	shalt  }
0x52: {  	_ =	shalt  }
0x53: {  	_ =	shalt  }
0x54: {  	_ =	shalt  }
0x55: {  	_ =	shalt  }
0x56: {  	_ =	shalt  }
0x57: {  	_ =	shalt  }
0x58: {  	_ =	shalt  }
0x59: {  	_ =	shalt  }
0x5a: {  	_ =	shalt  }
0x5b: {  	_ =	shalt  }
0x5c: {  	_ =	shalt  }
0x5d: {  	_ =	shalt  }
0x5e: {  	_ =	shalt  }
0x5f: {  	_ =	shalt  }
0x60: {  	_ =	shalt  }
0x61: {  	_ =	shalt  }
0x62: {  	_ =	shalt  }
0x63: {  	_ =	shalt  }
0x64: {  	_ =	shalt  }
0x65: {  	_ =	shalt  }
0x66: {  	_ =	shalt  }
0x67: {  	_ =	shalt  }
0x68: {  	_ =	shalt  }
0x69: {  	_ =	shalt  }
0x6a: {  	_ =	shalt  }
0x6b: {  	_ =	shalt  }
0x6c: {  	_ =	shalt  }
0x6d: {  	_ =	shalt  }
0x6e: {  	_ =	shalt  }
0x6f: {  	_ =	shalt  }
0x70: {  	_ =	shalt  }
0x71: {  	_ =	shalt  }
0x72: {  	_ =	shalt  }
0x73: {  	_ =	shalt  }
0x74: {  	_ =	shalt  }
0x75: {  	_ =	shalt  }
0x76: {  	_ =	shalt  }
0x77: {  	_ =	shalt  }
0x78: {  	_ =	shalt  }
0x79: {  	_ =	shalt  }
0x7a: {  	_ =	shalt  }
0x7b: {  	_ =	shalt  }
0x7c: {  	_ =	shalt  }
0x7d: {  	_ =	shalt  }
0x7e: {  	_ =	shalt  }
0x7f: {  	_ =	shalt  }
0x80: {  	_ =	shalt  }
0x81: {  	_ =	shalt  }
0x82: {  	_ =	shalt  }
0x83: {  	_ =	shalt  }
0x84: {  	_ =	shalt  }
0x85: {  	_ =	shalt  }
0x86: {  	_ =	shalt  }
0x87: {  	_ =	shalt  }
.Lfunc_end0:
.L_simem_size_0:
called_computation_lowered:
.L_overlay_start_0:
0x88: {  	s2 =	sld [smem:$0x3FD9]  }
0x89: {  	s3 =	sld [smem:$0x3FFE];
	_ =	sdelay $0x1  }
0x8a: {  	s1 =	srdreg.scid  }
0x8b: {  	s0 =	sand.u32 $0x1, s1  }
0x8c: {  	s17 =	sshll.u32 s0, $0xA;
	s2 =	sadd.s32 s3, s2  }
0x8d: {  	s2 =	sadd.s32 s2, s17  }
0x8e: {  	[smem:$0x3FC6] =	sst s2  }
0x8f: {  	_ = 	snop  }
0x90: {  	s2 =	sld [smem:$0x3FD0];
	(tm) =	ssettm $0x1  }
0x91: {  	s18 =	sld [smem:$0x3FFB];
	_ =	sdelay $0x3  }
0x92: {  	_ =	strace s18  }
0x93: {  	s3 =	sld [smem:$0x3FFC];
	_ =	sdelay $0x3  }
0x94: {  	_ =	strace s3  }
0x95: {  	s3 =	sld [smem:$0x3FFD];
	_ =	sdelay $0x3  }
0x96: {  	_ =	strace s3  }
0x97: {  	_ =	strace $0x8FFFFFFF  }
0x98: {  	s19 =	sld [smem:$0x3FDB];
	_ =	sdelay $0x1  }
0x99: {  	s4 =	simm.s32 $_scs_section_size  }
0x9a: {  	s5 =	simm.s32 $_size__tile_overlayer_lowered;
	s6 =	simm.s32 $_tile_overlayer_lowered  }
0x9b: {  	s22 =	simm.s32 $0x1BFF;
	s21 =	sshll.u32 s6, $0x1;
	s3 =	sadd.s32 s4, s19  }
0x9c: {  	s7 =	simm.s32 $0x0;
	s20 =	sshll.u32 s5, $0x1;
	s5 =	sadd.s32 s21, s3  }
0x9d: {  	[timem:s7], [sflag:s22] =	dma.local [hbm:s5], s20  }
0x9e: {  	_ =	swait.ge [sflag:s22], s20  }
0x9f: {  	s4 =	ssub.s32 $0x0, s20;
	[sflag:s22] =	ssyncset.done $0x0  }
0xa0: {  	[sflag:s22] =	ssyncadd.s32 s4;
	_ =	sdelay $0x1  }
0xa1: {  	s23 =	simm.s32 $0x1B8B  }
0xa2: {  	_ =	swait.ge [sflag:s23], $0x1  }
0xa3: {  	[sflag:s23] =	ssyncset.done $0x0  }
0xa4: {  	s25 =	simm.s32 $0x1B8E;
	s24 =	sld [smem:$0x3FFE];
	[sflag:s23] =	ssyncadd.s32 $0xFFFFFFFF  }
0xa5: {  	s26 =	simm.s32 $execute0_lowered;
	[smem:$0x3FD2] =	sst s25  }
0xa6: {  	s5 =	sshll.u32 s26, $0x1;
	_ =	strace $0x80000046;
	[dreg:$0x1] =	wrdreg $0xFFFFFFFF  }
0xa7: {  	s28 =	simm.s32 $_size_execute0_lowered;
	s3 =	sadd.s32 s3, s5;
	[dreg:$0x0] =	wrdreg $0x0  }
0xa8: {  	s5 =	sshll.u32 s28, $0x1;
	[dreg:$0x2] =	wrdreg s3  }
0xa9: {  	[dreg:$0x3] =	wrdreg s5  }
0xaa: {  	[dreg:$0x4] =	wrdreg $0xC0  }
0xab: {  	_ =	task [dreg:s7], $0x5FFFF  }
0xac: {  	[dreg:$0x1] =	wrdreg $0xFFFFFFFF  }
0xad: {  	[dreg:$0x0] =	wrdreg $0x60  }
0xae: {  	[dreg:$0x2] =	wrdreg s24  }
0xaf: {  	[dreg:$0x3] =	wrdreg s2  }
0xb0: {  	[dreg:$0x4] =	wrdreg $0x9  }
0xb1: {  	_ =	task.clear_ibuf [dreg:s7], $0x5FFFF;
	_ =	strace $0x90000046  }
0xb2: {  	s29 =	simm.s32 $0x9;
	_ =	strace $0x80000048  }
0xb3: {  	_ =	swait.ge [sflag:s29], $0x1  }
0xb4: {  	[sflag:s29] =	ssyncadd.s32 $0xFFFFFFFF  }
0xb5: {  	_ =	strace $0x90000048  }
0xb6: {  	_ =	sfence  }
0xb7: {  	s30 =	sld [smem:$0x0];
	_ =	sdelay $0x2  }
0xb8: {  	s31 =	sshll.u32 s1, $0xD;
	s1 =	sshrl.u32 s1, $0x2  }
0xb9: {  	s3 =	sand.u32 $0x4000, s31;
	s1 =	sadd.s32 s1, s30  }
0xba: {  	s0 =	sor.u32 s3, s0;
	s1 =	sshll.u32 s1, $0x11  }
0xbb: {  	s0 =	sor.u32 s1, s0  }
0xbc: {  	s0 =	sadd.s32 $0x8F2B, s0  }
0xbd: {  	[sflag:s0] =	ssyncadd.remote.s32 $0x1  }
0xbe: {  	_ =	sfence.sel $0xFFFF  }
0xbf: {  	[dreg:$0x0] =	wrdreg $0xFFFFFFFF;
	(pc) =	sbr.abs _section_cstart, $3  }
0xc0: {  	[dreg:$0x1] =	wrdreg $0xFFFFFFFF  }
0xc1: {  	_ =	task.clear_ibuf [dreg:s7], $0x2FFFF;
	_ =	strace $0x9FFFFFFF  }
0xc2: {  	(tm) =	ssettm $0x7FFFFFFF  }
0xc3: {  	_ =	shalt  }
tec
execute0_lowered:
.L_overlay_start_1:
0x0: {  	(tag) =	ssettag $0x1  }
0x1: {  	s0 =	rddreg [dreg:$0x0]  }
0x2: {  	s1 =	rddreg [dreg:$0x1];
	s2 =	simm.s32 $0x0  }
0x3: {  	s3 =	srdreg.scid;
	s11 =	stileid.u32;
	s14 =	simm.s32 $0x2000  }
0x4: {  	s16 =	simm.s32 $0x6;
	[smem:$0x7FF] =	sst s2;
	s3 =	sand.u32 $0x1, s3  }
0x5: {  	s4 =	sadd.s32 $0x6A00, s0;
	s8 =	sshll.u32 s11, $0x1;
	s6 =	ssub.s32 $0x2, s3  }
0x6: {  	s5 =	sadd.s32 $0x600, s0;
	s0 =	sadd.s32 $0x25E00, s0;
	s7 =	sshrl.u32 s6, $0x1  }
0x7: {  	_ =	strace $0x80000047;
	s7 =	ssub.s32 s6, s7;
	s6 =	sor.u32 s3, s8  }
0x8: {  	[dreg:$0x4] =	wrdreg s0;
	s3 =	sshll.u32 s6, $0xA;
	s9 =	smul.u32 $0x3F0000, s6  }
0x9: {  	s10 =	sor.u32 $0x20, s6;
	s26 =	smax.u32 s7, $0x1;
	s28 =	sshll.u32 s6, $0x9  }
0xa: {  	s3 =	sadd.s32 s4, s3;
	s25 =	smul.u32 $0x3F0000, s10;
	[dreg:$0x5] =	wrdreg s26  }
0xb: {  	s31 =	sshll.u32 s10, $0x9;
	[dreg:$0x3] =	wrdreg s3;
	s29 =	sshrl.u32 s9, $0x3  }
.Ltmp0:
0xc: {  	s3 =	sadd.s32 s5, s28;
	s30 =	sadd.s32 s1, s29;
	(pc) =	sbr.rel .LBB2_1-.Ltmp0, $4  }
0xd: {  	[dreg:$0x6] =	wrdreg s3;
	s0 =	sshrl.u32 s25, $0x3;
	s3 =	sadd.s32 $0x7D000, s30  }
0xe: {  	s0 =	sadd.s32 s1, s0;
	[dreg:$0x7] =	wrdreg s3;
	s3 =	sadd.s32 s5, s31  }
0xf: {  	s21 =	simm.s32 $0x0;
	s0 =	sadd.s32 $0x7D000, s0;
	[dreg:$0x8] =	wrdreg s3  }
0x10: {  	p0 =	sgt.u32 s11, $0x4;
	p1 =	sgt.u32 s10, $0x31;
	[dreg:$0x9] =	wrdreg s0  }
.LBB2_13:
0x11: {  	s21 =	sadd.s32 $0x1, s21;
	s0 =	rddreg [dreg:$0x5]  }
0x12: {  	p2 =	sne.s32 s21, s0  }
.Ltmp1:
0x13: {  	_ = 	snop;
	(pc) =	sbr.rel @!p2 .LBB2_14-.Ltmp1, $1  }
0x14: {  	_ =	sdelay $0x3  }
.LBB2_1:
.Ltmp2:
0x15: {  	(pc) =	sbr.rel .LBB2_2-.Ltmp2, $4  }
0x16: {  	_ = 	snop  }
0x17: {  	[tilespmem:s2], [sflag:$0x1] =	stream.linear.gather [hbm4b:s5+s2], $0x1000, $0x38;
	[tilespmem:$0x17000] =	vst v63  }
0x18: {  	s0 =	rddreg [dreg:$0x3];
	s3 =	simm.s32 $0x0  }
0x19: {  	[tilespmem:s14], [sflag:$0x1] =	stream.linear.gather [hbm4b:s0+s2], $0x2000, $0x38;
	[tilespmem:$0x17000] =	vst v63  }
.LBB2_6:
0x1a: {  	p2 =	sne.s32 s22, $0xC4  }
.Ltmp3:
0x1b: {  	_ = 	snop;
	(pc) =	sbr.rel @!p2 .LBB2_7-.Ltmp3, $2  }
0x1c: {  	_ =	sdelay $0x2  }
0x1d: {  	s3 =	smov.u32 s22  }
.LBB2_2:
0x1e: {  	s22 =	sadd.s32 $0x1, s3  }
0x1f: {  	s0 =	sshll.u32 s22, $0x5  }
0x20: {  	s7 =	sor.u32 s6, s0  }
0x21: {  	p2 =	sgt.u32 s7, $0x1869  }
0x22: {  	s9 =	smul.u32 @!p2 $0x625, s7  }
0x23: {  	s31 =	sshll.u32 s3, $0x5  }
0x24: {  	s0 =	sor.u32 s6, s31;
	s9 =	sshrl.u32 @!p2 s9, $0x10  }
0x25: {  	s23 =	sand.u32 $0x1, s3;
	p3 =	sgt.u32 s0, $0x1869;
	s10 =	ssub.s32 @!p2 s7, s9  }
0x26: {  	s12 =	sadd.s32 @!p3 $0x1, s23;
	s10 =	sand.u32 @!p2 $0xFFFE, s10  }
0x27: {  	_ =	swait.ge @!p3 [sflag:s12], $0x1000;
	s10 =	sshrl.u32 @!p2 s10, $0x1  }
0x28: {  	[sflag:s12] =	ssyncset.done @!p3 $0x0;
	s9 =	sadd.s32 @!p2 s9, s10  }
0x29: {  	[sflag:s12] =	ssyncadd.s32 @!p3 $0xFFFFF000;
	s10 =	sand.u32 @!p2 $0xFFC0, s9  }
0x2a: {  	s17 =	simm.s32 @!p2 $0x0;
	_ =	swait.ge @!p3 [sflag:s12], $0x2000;
	s10 =	sshrl.u32 @!p2 s10, $0x6  }
0x2b: {  	[sflag:s12] =	ssyncset.done @!p3 $0x0;
	s9 =	sshll.u32 @!p2 s9, $0x3;
	s10 =	smul.u32 @!p2 $0x7D, s10  }
0x2c: {  	[sflag:s12] =	ssyncadd.s32 @!p3 $0xFFFFE000;
	s12 =	sand.u32 @!p2 $0x1, s22;
	s9 =	sand.u32 @!p2 $0xFE00, s9  }
0x2d: {  	s13 =	sshll.u32 @!p2 s12, $0xC;
	s9 =	sadd.s32 @!p2 s9, s5;
	s7 =	ssub.s32 @!p2 s7, s10  }
.Ltmp4:
0x2e: {  	s10 =	sadd.s32 @!p2 $0x1, s12;
	s7 =	sand.u32 @!p2 $0xFFFF, s7;
	(pc) =	sbr.rel @p3 .LBB2_6-.Ltmp4, $4  }
0x2f: {  	[tilespmem:s13], [sflag:s10] =	stream.linear.gather @!p2 [hbm4b:s9+s17], $0x1000, $0x38;
	[tilespmem:$0x17000] =	vst v63  }
0x30: {  	s9 =	sshll.u32 @!p2 s12, $0xD;
	s7 =	sshll.u32 @!p2 s7, $0xA  }
0x31: {  	s9 =	sadd.s32 @!p2 $0x2000, s9;
	s7 =	sadd.s32 @!p2 s4, s7  }
0x32: {  	[tilespmem:s9], [sflag:s10] =	stream.linear.gather @!p2 [hbm4b:s7+s17], $0x2000, $0x38;
	[tilespmem:$0x17000] =	vst v63  }
0x33: {  	p2 =	slt.u32 s3, $0x2  }
0x34: {  	s7 =	simm.s32 $0x0;
	s26 =	sshll.u32 s23, $0xC;
	s3 =	sadd.s32 @!p2 $0x3, s23  }
0x35: {  	s9 =	sand.u32 $0xF80, s7;
	s10 =	sand.u32 $0x60, s7;
	_ =	swait.ge @!p2 [sflag:s3], $0x8000  }
0x36: {  	s9 =	sadd.s32 s9, s26;
	s12 =	sor.u32 $0x10, s10;
	[sflag:s3] =	ssyncset.done @!p2 $0x0  }
0x37: {  	s13 =	sadd.s32 s12, s9;
	[sflag:s3] =	ssyncadd.s32 @!p2 $0xFFFF8000  }
0x38: {  	v0 =	vld [tilespmem:s13+$0x0];
	_ =	sdelay $0x4  }
0x39: {  	v1 =	vshll.u32 v0, $0x3  }
0x3a: {  	v0 =	vand.u32 $0x7F, v0;
	v1 =	vand.u32 $0xFFFFFC00, v1  }
0x3b: {  	s15 =	sadd.s32 s10, s9;
	v1 =	vor.u32 v0, v1  }
0x3c: {  	v0 =	vld [tilespmem:s15+$0x0]  }
0x3d: {  	s17 =	sshll.u32 s23, $0xF  }
0x3e: {  	s18 =	sshrl.u32 s17, $0x2  }
0x3f: {  	s25 =	sadd.s32 $0x2000, s18  }
0x40: {  	s19 =	simm.s32 $0x20;
	v3 =	vld.idx.msk [tilespmem:v1+s25+$0x0], $0xffff  }
0x41: {  	s24 =	sor.u32 $0x6000, s17;
	s20 =	sand.u32 $0xF80, s19;
	s9 =	sand.u32 $0x60, s19;
	v4 =	vor.u32 $0x80, v1;
	v2 =	vshll.u32 v0, $0x3  }
0x42: {  	s7 =	sand.u32 $0x7C00, s7;
	s3 =	sadd.s32 s20, s26;
	s13 =	sor.u32 $0x10, s9;
	v0 =	vand.u32 $0x7F, v0;
	v2 =	vand.u32 $0xFFFFFC00, v2  }
0x43: {  	s7 =	sadd.s32 s7, s24;
	s17 =	sadd.s32 s13, s3;
	v2 =	vor.u32 v0, v2  }
0x44: {  	s12 =	sadd.s32 s12, s7;
	s3 =	sadd.s32 s9, s3;
	v0 =	vld [tilespmem:s17+$0x0]  }
0x45: {  	[tilespmem:s12+$0x0] =	vst v3;
	v3 =	vld [tilespmem:s3+$0x0]  }
0x46: {  	v5 =	vld.idx.msk [tilespmem:v4+s25+$0x0], $0xffff  }
0x47: {  	v6 =	vor.u32 $0x100, v1  }
0x48: {  	v7 =	vld.idx.msk [tilespmem:v2+s25+$0x0], $0xffff  }
0x49: {  	v8 =	vor.u32 $0x80, v2;
	v4 =	vshll.u32 v0, $0x3  }
0x4a: {  	v0 =	vand.u32 $0x7F, v0;
	v4 =	vand.u32 $0xFFFFFC00, v4;
	v9 =	vshll.u32 v3, $0x3  }
0x4b: {  	v4 =	vor.u32 v0, v4;
	v3 =	vand.u32 $0x7F, v3;
	[tilespmem:s12+$0x80] =	vst v5;
	v0 =	vand.u32 $0xFFFFFC00, v9  }
0x4c: {  	s29 =	sadd.s32 s10, s7;
	v5 =	vld.idx.msk [tilespmem:v6+s25+$0x0], $0xffff;
	v3 =	vor.u32 v3, v0  }
0x4d: {  	[tilespmem:s29+$0x0] =	vst v7;
	v0 =	vor.u32 $0x180, v1  }
0x4e: {  	v6 =	vld.idx.msk [tilespmem:v8+s25+$0x0], $0xffff  }
0x4f: {  	s8 =	simm.s32 $0x40;
	v7 =	vor.u32 $0x100, v2  }
0x50: {  	s10 =	sand.u32 $0xF80, s8;
	s3 =	sand.u32 $0x60, s8;
	v8 =	vld.idx.msk [tilespmem:v4+s25+$0x0], $0xffff  }
0x51: {  	s11 =	simm.s32 $0x100;
	s7 =	sadd.s32 s10, s26;
	s15 =	sor.u32 $0x10, s3;
	v10 =	vor.u32 $0x80, v4;
	v9 =	vld.idx.msk [tilespmem:v3+s25+$0x0], $0xffff;
	[tilespmem:s12+$0x100] =	vst v5  }
0x52: {  	s17 =	sand.u32 $0x7C00, s11;
	s18 =	sadd.s32 s15, s7;
	v0 =	vld.idx.msk [tilespmem:v0+s25+$0x0], $0xffff  }
0x53: {  	v11 =	vor.u32 $0x200, v1;
	s17 =	sadd.s32 s17, s24;
	[tilespmem:s29+$0x80] =	vst v6;
	v6 =	vld [tilespmem:s18+$0x0]  }
0x54: {  	s19 =	sadd.s32 s13, s17;
	s7 =	sadd.s32 s3, s7;
	v7 =	vld.idx.msk [tilespmem:v7+s25+$0x0], $0xffff  }
0x55: {  	s28 =	sadd.s32 s9, s17;
	v5 =	vor.u32 $0x80, v3;
	[tilespmem:s19+$0x0] =	vst v8;
	v8 =	vld [tilespmem:s7+$0x0]  }
0x56: {  	v12 =	vor.u32 $0x180, v2;
	v10 =	vld.idx.msk [tilespmem:v10+s25+$0x0], $0xffff;
	[tilespmem:s28+$0x0] =	vst v9  }
0x57: {  	v9 =	vor.u32 $0x100, v4;
	[tilespmem:s12+$0x180] =	vst v0  }
0x58: {  	v0 =	vshll.u32 v6, $0x3;
	v11 =	vld.idx.msk [tilespmem:v11+s25+$0x0], $0xffff  }
0x59: {  	s17 =	simm.s32 $0x60;
	v6 =	vand.u32 $0x7F, v6;
	[tilespmem:s29+$0x100] =	vst v7;
	v0 =	vand.u32 $0xFFFFFC00, v0;
	v7 =	vor.u32 $0x280, v1  }
0x5a: {  	s18 =	sand.u32 $0xF80, s17;
	s7 =	sand.u32 $0x60, s17;
	v5 =	vld.idx.msk [tilespmem:v5+s25+$0x0], $0xffff;
	v14 =	vshll.u32 v8, $0x3;
	v0 =	vor.u32 v6, v0  }
0x5b: {  	v13 =	vor.u32 $0x100, v3;
	s8 =	sadd.s32 s18, s26;
	s9 =	sor.u32 $0x10, s7;
	v8 =	vand.u32 $0x7F, v8;
	v12 =	vld.idx.msk [tilespmem:v12+s25+$0x0], $0xffff;
	[tilespmem:s19+$0x80] =	vst v10;
	v10 =	vand.u32 $0xFFFFFC00, v14  }
0x5c: {  	s11 =	sadd.s32 s9, s8;
	v10 =	vor.u32 v8, v10;
	v9 =	vld.idx.msk [tilespmem:v9+s25+$0x0], $0xffff  }
0x5d: {  	v15 =	vld [tilespmem:s11+$0x0];
	v8 =	vor.u32 $0x180, v4;
	[tilespmem:s12+$0x200] =	vst v11  }
0x5e: {  	v6 =	vor.u32 $0x200, v2;
	v7 =	vld.idx.msk [tilespmem:v7+s25+$0x0], $0xffff  }
0x5f: {  	[tilespmem:s28+$0x80] =	vst v5;
	v11 =	vld.idx.msk [tilespmem:v0+s25+$0x0], $0xffff  }
0x60: {  	s20 =	simm.s32 $0x200;
	v5 =	vld.idx.msk [tilespmem:v13+s25+$0x0], $0xffff;
	[tilespmem:s29+$0x180] =	vst v12;
	v12 =	vor.u32 $0x300, v1  }
0x61: {  	s13 =	sand.u32 $0x7C00, s20;
	v14 =	vor.u32 $0x80, v0;
	v13 =	vld.idx.msk [tilespmem:v10+s25+$0x0], $0xffff;
	[tilespmem:s19+$0x100] =	vst v9  }
0x62: {  	s13 =	sadd.s32 s13, s24;
	v9 =	vor.u32 $0x80, v10;
	v8 =	vld.idx.msk [tilespmem:v8+s25+$0x0], $0xffff  }
0x63: {  	s31 =	sadd.s32 s15, s13;
	v16 =	vor.u32 $0x200, v4;
	s17 =	sadd.s32 s7, s8;
	v6 =	vld.idx.msk [tilespmem:v6+s25+$0x0], $0xffff;
	[tilespmem:s12+$0x280] =	vst v7  }
0x64: {  	v17 =	vor.u32 $0x280, v2;
	[tilespmem:s31+$0x0] =	vst v11;
	v11 =	vld [tilespmem:s17+$0x0]  }
0x65: {  	s30 =	sadd.s32 s3, s13;
	[tilespmem:s28+$0x100] =	vst v5;
	v7 =	vor.u32 $0x180, v3;
	v12 =	vld.idx.msk [tilespmem:v12+s25+$0x0], $0xffff  }
0x66: {  	v14 =	vld.idx.msk [tilespmem:v14+s25+$0x0], $0xffff;
	[tilespmem:s30+$0x0] =	vst v13;
	v13 =	vor.u32 $0x380, v1  }
0x67: {  	v18 =	vor.u32 $0x100, v0;
	v9 =	vld.idx.msk [tilespmem:v9+s25+$0x0], $0xffff;
	[tilespmem:s19+$0x180] =	vst v8  }
0x68: {  	[tilespmem:s29+$0x200] =	vst v6;
	v8 =	vor.u32 $0x100, v10;
	v5 =	vld.idx.msk [tilespmem:v16+s25+$0x0], $0xffff  }
0x69: {  	v1 =	vshll.u32 v15, $0x3;
	v16 =	vld.idx.msk [tilespmem:v17+s25+$0x0], $0xffff  }
0x6a: {  	s13 =	simm.s32 $0x80;
	v1 =	vand.u32 $0xFFFFFC00, v1;
	v6 =	vld.idx.msk [tilespmem:v7+s25+$0x0], $0xffff;
	v7 =	vand.u32 $0x7F, v15;
	v15 =	vor.u32 $0x280, v4;
	[tilespmem:s12+$0x300] =	vst v12  }
0x6b: {  	s18 =	sand.u32 $0xF80, s13;
	s17 =	sand.u32 $0x60, s13;
	v12 =	vshll.u32 v11, $0x3;
	v1 =	vor.u32 v7, v1;
	[tilespmem:s31+$0x80] =	vst v14;
	v13 =	vld.idx.msk [tilespmem:v13+s25+$0x0], $0xffff  }
0x6c: {  	s8 =	sadd.s32 s18, s26;
	s18 =	sor.u32 $0x10, s17;
	v7 =	vor.u32 $0x200, v3;
	v11 =	vand.u32 $0x7F, v11;
	v12 =	vand.u32 $0xFFFFFC00, v12;
	v14 =	vld.idx.msk [tilespmem:v18+s25+$0x0], $0xffff;
	[tilespmem:s30+$0x80] =	vst v9  }
0x6d: {  	s13 =	sadd.s32 s18, s8;
	v11 =	vor.u32 v11, v12;
	v9 =	vld.idx.msk [tilespmem:v8+s25+$0x0], $0xffff;
	[tilespmem:s19+$0x200] =	vst v5  }
0x6e: {  	v8 =	vor.u32 $0x180, v0;
	[tilespmem:s29+$0x280] =	vst v16;
	v16 =	vld [tilespmem:s13+$0x0]  }
0x6f: {  	v5 =	vor.u32 $0x300, v2;
	v12 =	vld.idx.msk [tilespmem:v15+s25+$0x0], $0xffff  }
0x70: {  	[tilespmem:s28+$0x180] =	vst v6;
	v15 =	vor.u32 $0x300, v4;
	v6 =	vld.idx.msk [tilespmem:v1+s25+$0x0], $0xffff  }
0x71: {  	s15 =	simm.s32 $0x300;
	v18 =	vor.u32 $0x80, v1;
	v7 =	vld.idx.msk [tilespmem:v7+s25+$0x0], $0xffff  }
0x72: {  	s20 =	sand.u32 $0x7C00, s15;
	[tilespmem:s31+$0x100] =	vst v14;
	v17 =	vld.idx.msk [tilespmem:v11+s25+$0x0], $0xffff  }
0x73: {  	v20 =	vor.u32 $0x280, v3;
	s11 =	sadd.s32 s20, s24;
	v8 =	vld.idx.msk [tilespmem:v8+s25+$0x0], $0xffff  }
0x74: {  	s3 =	sadd.s32 s9, s11;
	v14 =	vor.u32 $0x80, v11;
	v5 =	vld.idx.msk [tilespmem:v5+s25+$0x0], $0xffff;
	[tilespmem:s19+$0x280] =	vst v12  }
0x75: {  	v19 =	vor.u32 $0x200, v0;
	[tilespmem:s3+$0x0] =	vst v6;
	v15 =	vld.idx.msk [tilespmem:v15+s25+$0x0], $0xffff  }
0x76: {  	s15 =	sadd.s32 s17, s8;
	[tilespmem:s12+$0x380] =	vst v13;
	v12 =	vor.u32 $0x180, v10;
	v13 =	vld.idx.msk [tilespmem:v18+s25+$0x0], $0xffff  }
0x77: {  	v22 =	vor.u32 $0x380, v2;
	s12 =	sadd.s32 s7, s11;
	[tilespmem:s28+$0x200] =	vst v7;
	v18 =	vld [tilespmem:s15+$0x0]  }
0x78: {  	v28 =	vor.u32 $0x280, v0;
	v23 =	vor.u32 $0x200, v10;
	v29 =	vld.idx.msk [tilespmem:v20+s25+$0x0], $0xffff;
	[tilespmem:s12+$0x0] =	vst v17;
	v17 =	vor.u32 $0x380, v4  }
0x79: {  	v21 =	vor.u32 $0x100, v1;
	v2 =	vor.u32 $0x380, v3;
	v24 =	vor.u32 $0x100, v11;
	[tilespmem:s31+$0x180] =	vst v8;
	v14 =	vld.idx.msk [tilespmem:v14+s25+$0x0], $0xffff  }
0x7a: {  	[tilespmem:s30+$0x100] =	vst v9;
	v6 =	vor.u32 $0x280, v10;
	v8 =	vor.u32 $0x300, v3;
	v3 =	vshll.u32 v16, $0x3;
	v19 =	vld.idx.msk [tilespmem:v19+s25+$0x0], $0xffff  }
0x7b: {  	v7 =	vand.u32 $0x7F, v16;
	v4 =	vor.u32 $0x300, v10;
	v9 =	vand.u32 $0xFFFFFC00, v3;
	[tilespmem:s29+$0x300] =	vst v5;
	v25 =	vld.idx.msk [tilespmem:v12+s25+$0x0], $0xffff  }
0x7c: {  	v3 =	vor.u32 $0x380, v10;
	v10 =	vor.u32 v7, v9;
	v20 =	vld.idx.msk [tilespmem:v22+s25+$0x0], $0xffff;
	[tilespmem:s19+$0x300] =	vst v15;
	v5 =	vshll.u32 v18, $0x3  }
0x7d: {  	s20 =	smulhi.u32 $0x10624DD3, s0;
	[tilespmem:s3+$0x80] =	vst v13;
	v15 =	vand.u32 $0x7F, v18;
	v30 =	vld.idx.msk [tilespmem:v17+s25+$0x0], $0xffff;
	v16 =	vand.u32 $0xFFFFFC00, v5  }
0x7e: {  	v26 =	vor.u32 $0x180, v1;
	v12 =	vor.u32 $0x200, v11;
	v21 =	vld.idx.msk [tilespmem:v21+s25+$0x0], $0xffff;
	[tilespmem:s12+$0x80] =	vst v14;
	v27 =	vor.u32 v15, v16  }
0x7f: {  	s13 =	sshrl.u32 s20, $0x3;
	v9 =	vor.u32 $0x280, v11;
	v7 =	vor.u32 $0x300, v11;
	v13 =	vor.u32 $0x180, v11;
	[tilespmem:s31+$0x200] =	vst v19;
	v24 =	vld.idx.msk [tilespmem:v24+s25+$0x0], $0xffff  }
0x80: {  	s7 =	smul.u32 $0x7D, s13;
	[tilespmem:s28+$0x280] =	vst v29;
	v5 =	vor.u32 $0x380, v11;
	v19 =	vor.u32 $0x80, v27;
	v16 =	vor.u32 $0x100, v27;
	v22 =	vld.idx.msk [tilespmem:v28+s25+$0x0], $0xffff  }
0x81: {  	s10 =	simm.s32 $0xA0;
	[tilespmem:s30+$0x180] =	vst v25;
	v17 =	vor.u32 $0x180, v27;
	v14 =	vor.u32 $0x200, v27;
	v15 =	vor.u32 $0x280, v27;
	v28 =	vld.idx.msk [tilespmem:v10+s25+$0x0], $0xffff  }
0x82: {  	s9 =	simm.s32 $0x400;
	s0 =	ssub.s32 s0, s7;
	s7 =	simm.s32 $0x8;
	v18 =	vor.u32 $0x300, v27;
	v11 =	vor.u32 $0x380, v27;
	v25 =	vor.u32 $0x300, v0;
	v23 =	vld.idx.msk [tilespmem:v23+s25+$0x0], $0xffff;
	[tilespmem:s19+$0x380] =	vst v30  }
.LBB2_4:
0x83: {  	s11 =	sand.u32 $0xF80, s10;
	s19 =	sand.u32 $0x60, s10;
	v27 =	vld.idx.msk [tilespmem:v27+s25+$0x0], $0xffff;
	s8 =	sand.u32 $0x7C00, s9;
	v29 =	vor.u32 $0x80, v10;
	[tilespmem:s3+$0x100] =	vst v21  }
0x84: {  	s7 =	sadd.s32 $0x2, s7;
	s11 =	sadd.s32 s11, s26;
	s15 =	sor.u32 $0x10, s19;
	v21 =	vld.idx.msk [tilespmem:v26+s25+$0x0], $0xffff;
	[tilespmem:s29+$0x380] =	vst v20  }
0x85: {  	p2 =	slt.u32 s7, $0xFE;
	s8 =	sadd.s32 s8, s24;
	s29 =	sadd.s32 s15, s11;
	[tilespmem:s12+$0x100] =	vst v24;
	v20 =	vld.idx.msk [tilespmem:v8+s25+$0x0], $0xffff;
	v8 =	vmov v4;
	v4 =	vmov v7;
	v7 =	vmov v18  }
0x86: {  	s11 =	sadd.s32 s19, s11;
	s20 =	sadd.s32 s17, s8;
	s8 =	sadd.s32 s18, s8;
	v24 =	vor.u32 $0x200, v1;
	v18 =	vld [tilespmem:s29+$0x0];
	[tilespmem:s31+$0x280] =	vst v22  }
0x87: {  	s17 =	smov.u32 s19;
	s18 =	smov.u32 s15;
	s29 =	smov.u32 s28;
	[tilespmem:s8+$0x0] =	vst v28;
	v22 =	vld.idx.msk [tilespmem:v25+s25+$0x0], $0xffff  }
0x88: {  	s28 =	smov.u32 s30;
	v25 =	vld.idx.msk [tilespmem:v29+s25+$0x0], $0xffff;
	[tilespmem:s30+$0x200] =	vst v23;
	s30 =	smov.u32 s12;
	s12 =	smov.u32 s20  }
0x89: {  	v26 =	vor.u32 $0x380, v0;
	v0 =	vmov v1;
	v1 =	vmov v10;
	v23 =	vld [tilespmem:s11+$0x0];
	[tilespmem:s12+$0x0] =	vst v27;
	s11 =	smov.u32 s3;
	s3 =	smov.u32 s8  }
0x8a: {  	v27 =	vor.u32 $0x100, v1;
	v19 =	vld.idx.msk [tilespmem:v19+s25+$0x0], $0xffff;
	[tilespmem:s11+$0x180] =	vst v21  }
0x8b: {  	v28 =	vld.idx.msk [tilespmem:v24+s25+$0x0], $0xffff;
	[tilespmem:s29+$0x300] =	vst v20  }
0x8c: {  	v10 =	vshll.u32 v18, $0x3;
	v29 =	vld.idx.msk [tilespmem:v13+s25+$0x0], $0xffff;
	v13 =	vmov v17  }
0x8d: {  	v17 =	vand.u32 $0x7F, v18;
	v10 =	vand.u32 $0xFFFFFC00, v10;
	v18 =	vor.u32 $0x280, v0;
	v30 =	vld.idx.msk [tilespmem:v6+s25+$0x0], $0xffff;
	[tilespmem:s31+$0x300] =	vst v22;
	v6 =	vmovc v9;
	v9 =	vmovc v15  }
0x8e: {  	v10 =	vor.u32 v17, v10;
	v15 =	vand.u32 $0x7F, v23;
	v20 =	vshll.u32 v23, $0x3;
	[tilespmem:s3+$0x80] =	vst v25;
	v31 =	vld.idx.msk [tilespmem:v26+s25+$0x0], $0xffff  }
0x8f: {  	v17 =	vand.u32 $0xFFFFFC00, v20;
	v21 =	vld.idx.msk [tilespmem:v27+s25+$0x0], $0xffff  }
.Ltmp5:
0x90: {  	v27 =	vor.u32 v15, v17;
	[tilespmem:s12+$0x80] =	vst v19;
	v20 =	vld.idx.msk [tilespmem:v2+s25+$0x0], $0xffff;
	v2 =	vmovc v3;
	v3 =	vmov v5;
	v5 =	vmov v11;
	(pc) =	sbr.rel @p2 .LBB2_4-.Ltmp5, $4  }
0x91: {  	v26 =	vor.u32 $0x180, v1;
	v19 =	vor.u32 $0x80, v27;
	v24 =	vld.idx.msk [tilespmem:v16+s25+$0x0], $0xffff;
	v16 =	vor.u32 $0x100, v27;
	[tilespmem:s11+$0x200] =	vst v28  }
0x92: {  	v17 =	vor.u32 $0x180, v27;
	v32 =	vor.u32 $0x200, v27;
	v15 =	vor.u32 $0x280, v27;
	[tilespmem:s30+$0x180] =	vst v29;
	v22 =	vld.idx.msk [tilespmem:v18+s25+$0x0], $0xffff  }
0x93: {  	v11 =	vor.u32 $0x380, v27;
	v18 =	vor.u32 $0x300, v27;
	v28 =	vld.idx.msk [tilespmem:v10+s25+$0x0], $0xffff;
	[tilespmem:s28+$0x280] =	vst v30  }
0x94: {  	s10 =	sadd.s32 $0x20, s10;
	s9 =	sadd.s32 $0x100, s9;
	v25 =	vor.u32 $0x300, v0;
	v23 =	vld.idx.msk [tilespmem:v12+s25+$0x0], $0xffff;
	[tilespmem:s31+$0x380] =	vst v31;
	v12 =	vmov v14;
	v14 =	vmov v32;
	s31 =	smov.u32 s11  }
0x95: {  	_ =	sdelay $0x3  }
0x96: {  	v29 =	vor.u32 $0x80, v10;
	v27 =	vld.idx.msk [tilespmem:v27+s25+$0x0], $0xffff  }
0x97: {  	s7 =	sand.u32 $0x7C00, s9  }
0x98: {  	s7 =	sadd.s32 s7, s24  }
0x99: {  	s26 =	sadd.s32 s18, s7  }
0x9a: {  	s7 =	sadd.s32 s17, s7;
	[tilespmem:s26+$0x0] =	vst v28  }
0x9b: {  	v28 =	vld.idx.msk [tilespmem:v29+s25+$0x0], $0xffff;
	[tilespmem:s7+$0x0] =	vst v27  }
0x9c: {  	v45 =	vor.u32 $0x100, v10;
	v19 =	vld.idx.msk [tilespmem:v19+s25+$0x0], $0xffff;
	_ =	sdelay $0x3  }
0x9d: {  	[tilespmem:s26+$0x80] =	vst v28  }
0x9e: {  	v27 =	vld.idx.msk [tilespmem:v45+s25+$0x0], $0xffff;
	[tilespmem:s7+$0x80] =	vst v19  }
0x9f: {  	v46 =	vor.u32 $0x180, v10;
	v16 =	vld.idx.msk [tilespmem:v16+s25+$0x0], $0xffff;
	_ =	sdelay $0x1  }
0xa0: {  	[tilespmem:s3+$0x100] =	vst v21  }
0xa1: {  	v21 =	vld.idx.msk [tilespmem:v26+s25+$0x0], $0xffff;
	[tilespmem:s12+$0x100] =	vst v24  }
0xa2: {  	v47 =	vor.u32 $0x200, v1;
	v13 =	vld.idx.msk [tilespmem:v13+s25+$0x0], $0xffff;
	[tilespmem:s26+$0x100] =	vst v27  }
0xa3: {  	v19 =	vld.idx.msk [tilespmem:v46+s25+$0x0], $0xffff;
	[tilespmem:s7+$0x100] =	vst v16  }
0xa4: {  	v48 =	vor.u32 $0x200, v10;
	[tilespmem:s29+$0x380] =	vst v20;
	v17 =	vld.idx.msk [tilespmem:v17+s25+$0x0], $0xffff  }
0xa5: {  	[tilespmem:s31+$0x280] =	vst v22  }
0xa6: {  	v8 =	vld.idx.msk [tilespmem:v8+s25+$0x0], $0xffff;
	[tilespmem:s3+$0x180] =	vst v21  }
0xa7: {  	v49 =	vld.idx.msk [tilespmem:v47+s25+$0x0], $0xffff;
	[tilespmem:s12+$0x180] =	vst v13  }
0xa8: {  	v50 =	vor.u32 $0x280, v1;
	v12 =	vld.idx.msk [tilespmem:v12+s25+$0x0], $0xffff;
	[tilespmem:s26+$0x180] =	vst v19  }
0xa9: {  	v51 =	vld.idx.msk [tilespmem:v48+s25+$0x0], $0xffff;
	[tilespmem:s7+$0x180] =	vst v17  }
0xaa: {  	v52 =	vor.u32 $0x280, v10;
	[tilespmem:s30+$0x200] =	vst v23;
	v14 =	vld.idx.msk [tilespmem:v14+s25+$0x0], $0xffff  }
0xab: {  	v53 =	vld.idx.msk [tilespmem:v25+s25+$0x0], $0xffff;
	[tilespmem:s28+$0x300] =	vst v8  }
0xac: {  	v6 =	vld.idx.msk [tilespmem:v6+s25+$0x0], $0xffff;
	[tilespmem:s3+$0x200] =	vst v49  }
0xad: {  	v54 =	vld.idx.msk [tilespmem:v50+s25+$0x0], $0xffff;
	[tilespmem:s12+$0x200] =	vst v12  }
0xae: {  	v55 =	vor.u32 $0x300, v1;
	v9 =	vld.idx.msk [tilespmem:v9+s25+$0x0], $0xffff;
	[tilespmem:s26+$0x200] =	vst v51  }
0xaf: {  	v56 =	vld.idx.msk [tilespmem:v52+s25+$0x0], $0xffff;
	[tilespmem:s7+$0x200] =	vst v14  }
0xb0: {  	v57 =	vor.u32 $0x300, v10;
	[tilespmem:s31+$0x300] =	vst v53;
	v14 =	vld.idx.msk [tilespmem:v15+s25+$0x0], $0xffff  }
0xb1: {  	v2 =	vld.idx.msk [tilespmem:v2+s25+$0x0], $0xffff;
	[tilespmem:s30+$0x280] =	vst v6  }
0xb2: {  	v0 =	vor.u32 $0x380, v0;
	v4 =	vld.idx.msk [tilespmem:v4+s25+$0x0], $0xffff;
	[tilespmem:s3+$0x280] =	vst v54  }
0xb3: {  	v58 =	vld.idx.msk [tilespmem:v55+s25+$0x0], $0xffff;
	[tilespmem:s12+$0x280] =	vst v9  }
0xb4: {  	v59 =	vor.u32 $0x380, v1;
	v7 =	vld.idx.msk [tilespmem:v7+s25+$0x0], $0xffff;
	[tilespmem:s26+$0x280] =	vst v56  }
0xb5: {  	v60 =	vld.idx.msk [tilespmem:v57+s25+$0x0], $0xffff;
	[tilespmem:s7+$0x280] =	vst v14  }
0xb6: {  	v61 =	vor.u32 $0x380, v10;
	[tilespmem:s28+$0x380] =	vst v2;
	v62 =	vld.idx.msk [tilespmem:v18+s25+$0x0], $0xffff  }
0xb7: {  	v0 =	vld.idx.msk [tilespmem:v0+s25+$0x0], $0xffff;
	[tilespmem:s30+$0x300] =	vst v4  }
0xb8: {  	v3 =	vld.idx.msk [tilespmem:v3+s25+$0x0], $0xffff;
	[tilespmem:s3+$0x300] =	vst v58  }
0xb9: {  	v1 =	vld.idx.msk [tilespmem:v59+s25+$0x0], $0xffff;
	[tilespmem:s12+$0x300] =	vst v7  }
0xba: {  	v5 =	vld.idx.msk [tilespmem:v5+s25+$0x0], $0xffff;
	[tilespmem:s26+$0x300] =	vst v60  }
0xbb: {  	v63 =	vld.idx.msk [tilespmem:v61+s25+$0x0], $0xffff;
	[tilespmem:s7+$0x300] =	vst v62  }
0xbc: {  	[tilespmem:s31+$0x380] =	vst v0;
	v0 =	vld.idx.msk [tilespmem:v11+s25+$0x0], $0xffff  }
0xbd: {  	s29 =	smul.u32 $0x3F0000, s13;
	[tilespmem:s30+$0x380] =	vst v3  }
.Ltmp6:
0xbe: {  	s0 =	sshll.u32 s0, $0xF;
	[tilespmem:s3+$0x380] =	vst v1;
	(pc) =	sbr.rel .LBB2_6-.Ltmp6, $4  }
0xbf: {  	s0 =	sadd.s32 s0, s29;
	[tilespmem:s12+$0x380] =	vst v5  }
0xc0: {  	s0 =	sshrl.u32 s0, $0x3;
	[tilespmem:s26+$0x380] =	vst v63  }
0xc1: {  	s0 =	sadd.s32 s1, s0;
	s31 =	sadd.s32 $0x3, s23;
	[tilespmem:s7+$0x380] =	vst v0  }
0xc2: {  	[hbm4b:s0+s2] =	stream.linear.scatter [tilespmem:s24], [sflag:s31], $0x8000, $0x38;
	[tilespmem:$0x17000] =	vst v63  }
.LBB2_7:
0xc3: {  	s0 =	simm.s32 $0x3  }
0xc4: {  	_ =	swait.ge [sflag:s0], $0x8000  }
0xc5: {  	[sflag:s0] =	ssyncset.done $0x0  }
0xc6: {  	[sflag:s0] =	ssyncadd.s32 $0xFFFF8000;
	s0 =	simm.s32 @!p0 $0x4  }
0xc7: {  	_ =	swait.ge @!p0 [sflag:s0], $0x8000  }
0xc8: {  	[sflag:s0] =	ssyncset.done @!p0 $0x0  }
0xc9: {  	s26 =	rddreg [dreg:$0x6];
	[sflag:s0] =	ssyncadd.s32 @!p0 $0xFFFF8000  }
0xca: {  	[tilespmem:s2], [sflag:$0x6] =	stream.linear.gather [hbm4b:s26+s2], $0x1000, $0x38;
	[tilespmem:$0x17000] =	vst v63  }
0xcb: {  	_ =	swait.ge [sflag:s16], $0x1000  }
0xcc: {  	[sflag:s16] =	ssyncset.done $0x0  }
0xcd: {  	s28 =	rddreg [dreg:$0x4];
	[sflag:s16] =	ssyncadd.s32 $0xFFFFF000  }
0xce: {  	[tilespmem:s14], [sflag:$0x6] =	stream.linear.gather [hbm4b:s28+s2], $0x2000, $0x38;
	[tilespmem:$0x17000] =	vst v63  }
0xcf: {  	_ =	swait.ge [sflag:s16], $0x2000  }
0xd0: {  	[sflag:s16] =	ssyncset.done $0x0  }
0xd1: {  	s29 =	simm.s32 $0x10;
	[sflag:s16] =	ssyncadd.s32 $0xFFFFE000  }
0xd2: {  	v0 =	vld [tilespmem:s29+$0xFFFFFFF0]  }
0xd3: {  	v1 =	vld [tilespmem:s29+$0x0];
	_ =	sdelay $0x1  }
0xd4: {  	s30 =	simm.s32 $0x30  }
0xd5: {  	v5 =	vld [tilespmem:s30+$0xFFFFFFF0]  }
0xd6: {  	v3 =	vld [tilespmem:s30+$0x0];
	v2 =	vshll.u32 v0, $0x3  }
0xd7: {  	v0 =	vand.u32 $0x7F, v0;
	v4 =	vshll.u32 v1, $0x3;
	v2 =	vand.u32 $0xFFFFFC00, v2  }
0xd8: {  	s31 =	simm.s32 $0x50;
	v1 =	vand.u32 $0x7F, v1;
	v4 =	vand.u32 $0xFFFFFC00, v4;
	v0 =	vor.u32 v0, v2  }
0xd9: {  	v9 =	vld [tilespmem:s31+$0x0];
	v1 =	vor.u32 v1, v4  }
0xda: {  	v6 =	vld [tilespmem:s31+$0xFFFFFFF0];
	v4 =	vand.u32 $0x7F, v5;
	v5 =	vshll.u32 v5, $0x3  }
0xdb: {  	s7 =	simm.s32 $0x70;
	v2 =	vand.u32 $0x7F, v3;
	v3 =	vshll.u32 v3, $0x3;
	v7 =	vand.u32 $0xFFFFFC00, v5  }
0xdc: {  	v8 =	vand.u32 $0xFFFFFC00, v3;
	v3 =	vor.u32 v4, v7;
	v4 =	vld [tilespmem:s7+$0x0]  }
0xdd: {  	v0 =	vld.idx.msk [tilespmem:v0+s14+$0x0], $0xffff  }
0xde: {  	v2 =	vor.u32 v2, v8;
	v1 =	vld.idx.msk [tilespmem:v1+s14+$0x0], $0xffff  }
0xdf: {  	v5 =	vand.u32 $0x7F, v9;
	v8 =	vshll.u32 v6, $0x3  }
0xe0: {  	s9 =	simm.s32 $0x6;
	s3 =	simm.s32 $0x16010;
	s0 =	simm.s32 $0x16010;
	v9 =	vshll.u32 v9, $0x3;
	v7 =	vand.u32 $0x7F, v6;
	v6 =	vld [tilespmem:s7+$0xFFFFFFF0];
	v8 =	vand.u32 $0xFFFFFC00, v8  }
.LBB2_8:
0xe1: {  	s9 =	sadd.s32 $0x2, s9  }
0xe2: {  	v10 =	vand.u32 $0xFFFFFC00, v9;
	[tilespmem:s0+$0xFFFFFFF0] =	vst v0;
	v0 =	vld.idx.msk [tilespmem:v3+s14+$0x0], $0xffff;
	s3 =	sadd.s32 $0x20, s3;
	p2 =	slt.u32 s9, $0xFE  }
.Ltmp7:
0xe3: {  	s7 =	sadd.s32 $0x20, s7;
	v3 =	vor.u32 v7, v8;
	[tilespmem:s0+$0x0] =	vst v1;
	v1 =	vld.idx.msk [tilespmem:v2+s14+$0x0], $0xffff;
	v2 =	vor.u32 v5, v10;
	v5 =	vand.u32 $0x7F, v4;
	(pc) =	sbr.rel @p2 .LBB2_8-.Ltmp7, $3  }
0xe4: {  	v9 =	vmov v4;
	s0 =	smov.u32 s3;
	v4 =	vld [tilespmem:s7+$0x0];
	_ =	sdelay $0x1  }
0xe5: {  	v7 =	vand.u32 $0x7F, v6;
	v8 =	vshll.u32 v6, $0x3  }
0xe6: {  	v9 =	vshll.u32 v9, $0x3;
	v6 =	vld [tilespmem:s7+$0xFFFFFFF0];
	v8 =	vand.u32 $0xFFFFFC00, v8  }
0xe7: {  	_ =	sdelay $0x1  }
0xe8: {  	v9 =	vand.u32 $0xFFFFFC00, v9  }
0xe9: {  	v7 =	vor.u32 v7, v8;
	v5 =	vor.u32 v5, v9;
	v59 =	vshll.u32 v4, $0x3  }
0xea: {  	v60 =	vand.u32 $0x7F, v4;
	v9 =	vand.u32 $0xFFFFFC00, v59;
	v57 =	vshll.u32 v6, $0x3  }
0xeb: {  	v4 =	vor.u32 v60, v9;
	v58 =	vand.u32 $0x7F, v6;
	v8 =	vand.u32 $0xFFFFFC00, v57  }
0xec: {  	v3 =	vld.idx.msk [tilespmem:v3+s14+$0x0], $0xffff;
	v6 =	vor.u32 v58, v8  }
0xed: {  	v2 =	vld.idx.msk [tilespmem:v2+s14+$0x0], $0xffff  }
0xee: {  	v7 =	vld.idx.msk [tilespmem:v7+s14+$0x0], $0xffff  }
0xef: {  	[tilespmem:s0+$0xFFFFFFF0] =	vst v0;
	v61 =	vld.idx.msk [tilespmem:v5+s14+$0x0], $0xffff  }
0xf0: {  	s3 =	sadd.s32 $0x20, s3;
	[tilespmem:s0+$0x0] =	vst v1;
	v63 =	vld.idx.msk [tilespmem:v4+s14+$0x0], $0xffff  }
0xf1: {  	[tilespmem:s3+$0xFFFFFFF0] =	vst v3;
	v62 =	vld.idx.msk [tilespmem:v6+s14+$0x0], $0xffff  }
0xf2: {  	s28 =	sadd.s32 $0x20, s3;
	[tilespmem:s3+$0x0] =	vst v2  }
0xf3: {  	[tilespmem:s28+$0xFFFFFFF0] =	vst v7  }
0xf4: {  	s29 =	sadd.s32 $0x20, s28;
	[tilespmem:s28+$0x0] =	vst v61  }
0xf5: {  	[tilespmem:s29+$0x0] =	vst v63  }
0xf6: {  	s30 =	simm.s32 $0x80;
	s7 =	simm.s32 $0x400;
	s8 =	simm.s32 $0x16000;
	[tilespmem:s29+$0xFFFFFFF0] =	vst v62  }
.Ltmp8:
0xf7: {  	s31 =	simm.s32 $0x5;
	s0 =	rddreg [dreg:$0x7];
	(pc) =	sbr.rel @p1 .LBB2_13-.Ltmp8, $4  }
0xf8: {  	[hbm4b:s0+s30] =	stream.strided.scatter [tilespmem:s8], [sflag:$0x5], $0x1000, s7, s30, $0x38;
	[tilespmem:$0x17000] =	vst v63  }
0xf9: {  	_ =	swait.ge [sflag:s31], $0x1000  }
0xfa: {  	[sflag:s31] =	ssyncset.done $0x0  }
0xfb: {  	[sflag:s31] =	ssyncadd.s32 $0xFFFFF000  }
0xfc: {  	s0 =	rddreg [dreg:$0x8]  }
0xfd: {  	[tilespmem:s2], [sflag:$0x6] =	stream.linear.gather [hbm4b:s0+s2], $0x1000, $0x38;
	[tilespmem:$0x17000] =	vst v63  }
0xfe: {  	_ =	swait.ge [sflag:s16], $0x1000  }
0xff: {  	[sflag:s16] =	ssyncset.done $0x0  }
0x100: {  	s28 =	rddreg [dreg:$0x4];
	[sflag:s16] =	ssyncadd.s32 $0xFFFFF000  }
0x101: {  	[tilespmem:s14], [sflag:$0x6] =	stream.linear.gather [hbm4b:s28+s2], $0x2000, $0x38;
	[tilespmem:$0x17000] =	vst v63  }
0x102: {  	_ =	swait.ge [sflag:s16], $0x2000  }
0x103: {  	[sflag:s16] =	ssyncset.done $0x0  }
0x104: {  	s29 =	simm.s32 $0x10;
	[sflag:s16] =	ssyncadd.s32 $0xFFFFE000  }
0x105: {  	v0 =	vld [tilespmem:s29+$0xFFFFFFF0]  }
0x106: {  	v1 =	vld [tilespmem:s29+$0x0];
	_ =	sdelay $0x1  }
0x107: {  	s30 =	simm.s32 $0x30  }
0x108: {  	v5 =	vld [tilespmem:s30+$0xFFFFFFF0]  }
0x109: {  	v3 =	vld [tilespmem:s30+$0x0];
	v2 =	vshll.u32 v0, $0x3  }
0x10a: {  	v0 =	vand.u32 $0x7F, v0;
	v4 =	vshll.u32 v1, $0x3;
	v2 =	vand.u32 $0xFFFFFC00, v2  }
0x10b: {  	s31 =	simm.s32 $0x50;
	v1 =	vand.u32 $0x7F, v1;
	v4 =	vand.u32 $0xFFFFFC00, v4;
	v0 =	vor.u32 v0, v2  }
0x10c: {  	v9 =	vld [tilespmem:s31+$0x0];
	v1 =	vor.u32 v1, v4  }
0x10d: {  	v6 =	vld [tilespmem:s31+$0xFFFFFFF0];
	v4 =	vand.u32 $0x7F, v5;
	v5 =	vshll.u32 v5, $0x3  }
0x10e: {  	s7 =	simm.s32 $0x70;
	v2 =	vand.u32 $0x7F, v3;
	v3 =	vshll.u32 v3, $0x3;
	v7 =	vand.u32 $0xFFFFFC00, v5  }
0x10f: {  	v8 =	vand.u32 $0xFFFFFC00, v3;
	v3 =	vor.u32 v4, v7;
	v4 =	vld [tilespmem:s7+$0x0]  }
0x110: {  	v0 =	vld.idx.msk [tilespmem:v0+s14+$0x0], $0xffff  }
0x111: {  	v2 =	vor.u32 v2, v8;
	v1 =	vld.idx.msk [tilespmem:v1+s14+$0x0], $0xffff  }
0x112: {  	v5 =	vand.u32 $0x7F, v9;
	v8 =	vshll.u32 v6, $0x3  }
0x113: {  	s9 =	simm.s32 $0x6;
	s3 =	simm.s32 $0x16010;
	s0 =	simm.s32 $0x16010;
	v9 =	vshll.u32 v9, $0x3;
	v7 =	vand.u32 $0x7F, v6;
	v6 =	vld [tilespmem:s7+$0xFFFFFFF0];
	v8 =	vand.u32 $0xFFFFFC00, v8  }
.LBB2_11:
0x114: {  	s9 =	sadd.s32 $0x2, s9  }
0x115: {  	v10 =	vand.u32 $0xFFFFFC00, v9;
	[tilespmem:s0+$0xFFFFFFF0] =	vst v0;
	v0 =	vld.idx.msk [tilespmem:v3+s14+$0x0], $0xffff;
	s3 =	sadd.s32 $0x20, s3;
	p2 =	slt.u32 s9, $0xFE  }
.Ltmp9:
0x116: {  	s7 =	sadd.s32 $0x20, s7;
	v3 =	vor.u32 v7, v8;
	[tilespmem:s0+$0x0] =	vst v1;
	v1 =	vld.idx.msk [tilespmem:v2+s14+$0x0], $0xffff;
	v2 =	vor.u32 v5, v10;
	v5 =	vand.u32 $0x7F, v4;
	(pc) =	sbr.rel @p2 .LBB2_11-.Ltmp9, $3  }
0x117: {  	v9 =	vmov v4;
	s0 =	smov.u32 s3;
	v4 =	vld [tilespmem:s7+$0x0];
	_ =	sdelay $0x1  }
0x118: {  	v7 =	vand.u32 $0x7F, v6;
	v8 =	vshll.u32 v6, $0x3  }
0x119: {  	v9 =	vshll.u32 v9, $0x3;
	v6 =	vld [tilespmem:s7+$0xFFFFFFF0];
	v8 =	vand.u32 $0xFFFFFC00, v8  }
0x11a: {  	_ =	sdelay $0x1  }
0x11b: {  	v9 =	vand.u32 $0xFFFFFC00, v9  }
0x11c: {  	v7 =	vor.u32 v7, v8;
	v5 =	vor.u32 v5, v9;
	v59 =	vshll.u32 v4, $0x3  }
0x11d: {  	v60 =	vand.u32 $0x7F, v4;
	v9 =	vand.u32 $0xFFFFFC00, v59;
	v57 =	vshll.u32 v6, $0x3  }
0x11e: {  	v4 =	vor.u32 v60, v9;
	v58 =	vand.u32 $0x7F, v6;
	v8 =	vand.u32 $0xFFFFFC00, v57  }
0x11f: {  	v3 =	vld.idx.msk [tilespmem:v3+s14+$0x0], $0xffff;
	v6 =	vor.u32 v58, v8  }
0x120: {  	v2 =	vld.idx.msk [tilespmem:v2+s14+$0x0], $0xffff  }
0x121: {  	v7 =	vld.idx.msk [tilespmem:v7+s14+$0x0], $0xffff  }
0x122: {  	[tilespmem:s0+$0xFFFFFFF0] =	vst v0;
	v61 =	vld.idx.msk [tilespmem:v5+s14+$0x0], $0xffff  }
0x123: {  	s3 =	sadd.s32 $0x20, s3;
	[tilespmem:s0+$0x0] =	vst v1;
	v63 =	vld.idx.msk [tilespmem:v4+s14+$0x0], $0xffff  }
0x124: {  	[tilespmem:s3+$0xFFFFFFF0] =	vst v3;
	v62 =	vld.idx.msk [tilespmem:v6+s14+$0x0], $0xffff  }
0x125: {  	s28 =	sadd.s32 $0x20, s3;
	[tilespmem:s3+$0x0] =	vst v2  }
0x126: {  	[tilespmem:s28+$0xFFFFFFF0] =	vst v7  }
0x127: {  	s29 =	sadd.s32 $0x20, s28;
	[tilespmem:s28+$0x0] =	vst v61  }
0x128: {  	[tilespmem:s29+$0x0] =	vst v63  }
0x129: {  	s30 =	simm.s32 $0x80;
	s7 =	simm.s32 $0x400;
	s8 =	simm.s32 $0x16000;
	[tilespmem:s29+$0xFFFFFFF0] =	vst v62  }
.Ltmp10:
0x12a: {  	s31 =	simm.s32 $0x5;
	s0 =	rddreg [dreg:$0x9];
	(pc) =	sbr.rel .LBB2_13-.Ltmp10, $4  }
0x12b: {  	[hbm4b:s0+s30] =	stream.strided.scatter [tilespmem:s8], [sflag:$0x5], $0x1000, s7, s30, $0x38;
	[tilespmem:$0x17000] =	vst v63  }
0x12c: {  	_ =	swait.ge [sflag:s31], $0x1000  }
0x12d: {  	[sflag:s31] =	ssyncset.done $0x0  }
0x12e: {  	[sflag:s31] =	ssyncadd.s32 $0xFFFFF000  }
.LBB2_14:
0x12f: {  	_ =	sfence.sel $0x180000  }
0x130: {  	[bflag:$0x0] =	sbarrier.arrive $0xFFFF  }
0x131: {  	_ =	strace $0x90000047  }
0x132: {  	s0 =	stileid.u32;
	[bflag:$0x2] =	sbarrier.arrive $0xFFFF  }
0x133: {  	p0 =	sne.s32 s0, $0x0;
	s0 =	rddreg [dreg:$0x2]  }
0x134: {  	s0 =	sadd.s32 @!p0 $0x100000, s0  }
0x135: {  	[sflag:s0] =	ssyncadd.tile.s32 @!p0 $0x1;
	_ =	shalt  }
.Lfunc_end2:
_tile_overlayer_lowered:
.L_overlay_start_2:
0x136: {  	(tag) =	ssettag $0x2  }
0x137: {  	s0 =	rddreg [dreg:$0x0];
	s2 =	stileid.u32  }
0x138: {  	s1 =	rddreg [dreg:$0x1];
	p0 =	sne.s32 s2, $0x0  }
0x139: {  	s3 =	rddreg [dreg:$0x2];
	[bflag:$0x3] =	sbarrier.arrive $0xFFFF;
	s2 =	simm.s32 @!p0 $0x1C05  }
0x13a: {  	[timem:s3], [sflag:s2] =	dma.local @!p0 [hbm:s0], s1  }
0x13b: {  	s0 =	simm.s32 @!p0 $0x5  }
0x13c: {  	_ =	swait.ge @!p0 [sflag:s0], s1  }
0x13d: {  	s1 =	ssub.s32 @!p0 $0x0, s1;
	[sflag:s0] =	ssyncset.done @!p0 $0x0  }
0x13e: {  	[sflag:s0] =	ssyncadd.s32 @!p0 s1  }
0x13f: {  	[bflag:$0x3] =	sbarrier.arrive $0xFFFF  }
0x140: {  	_ =	shalt  }

</sc_bundles>
